<compile_context>
chip_gen: v7x
topology: tpu7x:2x2x1
jax: 0.10.2.dev20260603
libtpu: 0.0.44.dev20260713+nightly
codegen_flags: <defaults>
</compile_context>

<pallas_src>
import functools

import jax
import jax.numpy as jnp
from jax import lax
from jax.experimental import pallas as pl
from jax.experimental.pallas import tpu as pltpu
from jax.experimental.pallas import tpu_sc as plsc

_N_PAGES = 1024
_PAGE_SIZE = 16
_N_HEADS = 16
_HEAD_DIM = 128
_UPD = 4096
_T = _N_PAGES * _PAGE_SIZE

_L = 16
_CHUNK = 128
_GPC = _CHUNK // _L
_NPAIR = 2 * _N_HEADS


def _sc_paged_kv(k2d, v2d, positions, page_table_row):
    mesh = plsc.VectorSubcoreMesh(core_axis_name="c", subcore_axis_name="s")

    @functools.partial(
        pl.kernel,
        mesh=mesh,
        out_type=jax.ShapeDtypeStruct((2 * _N_HEADS * _UPD, _HEAD_DIM),
                                      jnp.float32),
        compiler_params=pltpu.CompilerParams(needs_layout_passes=False),
        scratch_types=[
            pltpu.VMEM((_N_PAGES,), jnp.int32),
            pltpu.VMEM((_CHUNK,), jnp.int32),
            pltpu.VMEM((_CHUNK,), jnp.int32),
            pltpu.VMEM((_T,), jnp.int32),
            pltpu.VMEM((_CHUNK, _HEAD_DIM), jnp.float32),
            pltpu.VMEM((_CHUNK, _HEAD_DIM), jnp.float32),
            pltpu.VMEM((_CHUNK, _HEAD_DIM), jnp.float32),
            pltpu.VMEM((_CHUNK, _HEAD_DIM), jnp.float32),
            pltpu.VMEM((_CHUNK, _HEAD_DIM), jnp.float32),
            pltpu.SemaphoreType.DMA,
            pltpu.SemaphoreType.DMA,
            pltpu.SemaphoreType.DMA,
            pltpu.SemaphoreType.DMA,
            pltpu.SemaphoreType.DMA,
            pltpu.SemaphoreType.DMA,
            pltpu.SemaphoreType.DMA,
            pltpu.SemaphoreType.DMA,
            pltpu.SemaphoreType.DMA,
            pltpu.SemaphoreType.DMA,
        ],
    )
    def body(k_hbm, v_hbm, pos_hbm, pt_hbm, out_hbm,
             pt_v, pos_v, idx_v, winner_v,
             buf0, buf1, buf2, buf3, buf4,
             g0, g1, g2, g3, g4, w0, w1, w2, w3, w4):
        bufs = (buf0, buf1, buf2, buf3, buf4)
        gs = (g0, g1, g2, g3, g4)
        ws = (w0, w1, w2, w3, w4)
        cid = lax.axis_index("c")
        sid = lax.axis_index("s")
        wid = sid * 2 + cid
        tok0 = wid * _CHUNK

        cp_pt = pltpu.async_copy(pt_hbm, pt_v, gs[0])
        cp_pos = pltpu.async_copy(
            pos_hbm.at[pl.ds(tok0, _CHUNK)], pos_v, gs[1])
        cp_pt.wait()
        cp_pos.wait()

        for u in range(_GPC):
            pos = pos_v[pl.ds(u * _L, _L)]
            pgi = lax.shift_right_logical(pos, 4)
            off = jnp.bitwise_and(pos, _PAGE_SIZE - 1)
            ppage = plsc.load_gather(pt_v, [pgi])
            phys = jnp.bitwise_or(lax.shift_left(ppage, 4), off)
            jvec = lax.iota(jnp.int32, _L) + (tok0 + u * _L)
            plsc.store_scatter(winner_v, [phys], jvec)
            inv = plsc.load_gather(winner_v, [phys])
            idx_v[pl.ds(u * _L, _L)] = inv

        srcs = (k_hbm, v_hbm)
        pairs = [(t, h) for t in range(2) for h in range(_N_HEADS)]

        def src_at(p):
            t, h = pairs[p]
            return srcs[t].at[pl.ds(h * _UPD, _UPD)].at[idx_v]

        def dst_at(p):
            t, h = pairs[p]
            return out_hbm.at[
                pl.ds(t * _N_HEADS * _UPD + h * _UPD + tok0, _CHUNK)]

        for p in range(3):
            pltpu.async_copy(src_at(p), bufs[p], gs[p])
        for p in range(_NPAIR):
            b = p % 5
            pltpu.make_async_copy(src_at(p), bufs[b], gs[b]).wait()
            pltpu.async_copy(bufs[b], dst_at(p), ws[b])
            q = p + 3
            if q < _NPAIR:
                bq = q % 5
                if q >= 5:
                    pltpu.make_async_copy(
                        bufs[bq], dst_at(q - 5), ws[bq]).wait()
                pltpu.async_copy(src_at(q), bufs[bq], gs[bq])
        for p in range(_NPAIR - 5, _NPAIR):
            pltpu.make_async_copy(bufs[p % 5], dst_at(p), ws[p % 5]).wait()

    return body(k2d, v2d, positions, page_table_row)


def kernel(k_cache, v_cache, page_table_row, positions, k, v):
    del k_cache, v_cache
    k2 = k.reshape(_N_HEADS * _UPD, _HEAD_DIM)
    v2 = v.reshape(_N_HEADS * _UPD, _HEAD_DIM)
    out = _sc_paged_kv(k2, v2, positions, page_table_row)
    return out.reshape(2, 1, _N_HEADS, _UPD, _HEAD_DIM)

# --- scband reference (transcript-rebuilt; emitter-appended) ---
"""Pipeline reference for scband-paged-kvcache-83949430768207 (READ-ONLY COPY).

The authoritative reference and input builder live on the scoring server;
editing this copy changes nothing except your own understanding.
"""

import jax, jax.numpy as jnp
import numpy as np

N_PAGES = 1024
PAGE_SIZE = 16
N_HEADS = 16
HEAD_DIM = 128
UPD = 4096


def setup_inputs(seed: int = 0) -> dict:
    key = jax.random.key(seed)
    k1, k2 = jax.random.split(key)
    T = N_PAGES * PAGE_SIZE
    k_cache = jnp.zeros((1, N_HEADS, T, HEAD_DIM), dtype=jnp.float32)
    v_cache = jnp.zeros((1, N_HEADS, T, HEAD_DIM), dtype=jnp.float32)
    # page_table row for this sequence: identity page mapping (pages allocated in order)
    page_table_row = jnp.arange(N_PAGES, dtype=jnp.int32)
    positions = jnp.arange(UPD, dtype=jnp.int32)
    k = jax.random.normal(k1, (N_HEADS, UPD, HEAD_DIM), dtype=jnp.float32)
    v = jax.random.normal(k2, (N_HEADS, UPD, HEAD_DIM), dtype=jnp.float32)
    return {
        "k_cache": k_cache,
        "v_cache": v_cache,
        "page_table_row": page_table_row,
        "positions": positions,
        "k": k,
        "v": v,
    }


def reference(k_cache, v_cache, page_table_row, positions, k, v):
    # get_physical_positions: logical -> physical via page table
    page_indices = positions // PAGE_SIZE
    offsets = positions % PAGE_SIZE
    physical_pages = jnp.take(page_table_row, page_indices, axis=0)
    phys = physical_pages * PAGE_SIZE + offsets  # [UPD]

    # update_cache: scatter-overwrite k/v at physical positions
    kc3 = k_cache[0]  # [H, T, D]
    vc3 = v_cache[0]
    kc3 = kc3.at[:, phys, :].set(k)
    vc3 = vc3.at[:, phys, :].set(v)

    # get_cached_kv: gather back max_length = UPD tokens
    k_out = kc3[:, phys, :][None]  # [1, H, UPD, D]
    v_out = vc3[:, phys, :][None]
    return jnp.stack([k_out, v_out], axis=0)  # [2, 1, H, UPD, D]

if __name__ == "__main__":
    import jax
    _d = setup_inputs()
    print(jax.jit(kernel)(*tuple(_d.values())))

</pallas_src>

<mosaic_0001>
#map = affine_map<(d0, d1) -> (0, 0)>
#map1 = affine_map<(d0, d1) -> (0)>
module attributes {stable_mosaic.version = 14 : i64} {
  func.func @body(%arg0: i32, %arg1: i32, %arg2: memref<65536x128xf32, #tpu.memory_space<hbm>>, %arg3: memref<65536x128xf32, #tpu.memory_space<hbm>>, %arg4: memref<4096xi32, #tpu.memory_space<hbm>>, %arg5: memref<1024xi32, #tpu.memory_space<hbm>>, %arg6: memref<131072x128xf32, #tpu.memory_space<hbm>>, %arg7: memref<1024xi32, #tpu.memory_space<vmem>>, %arg8: memref<128xi32, #tpu.memory_space<vmem>>, %arg9: memref<128xi32, #tpu.memory_space<vmem>>, %arg10: memref<16384xi32, #tpu.memory_space<vmem>>, %arg11: memref<128x128xf32, #tpu.memory_space<vmem>>, %arg12: memref<128x128xf32, #tpu.memory_space<vmem>>, %arg13: memref<128x128xf32, #tpu.memory_space<vmem>>, %arg14: memref<128x128xf32, #tpu.memory_space<vmem>>, %arg15: memref<128x128xf32, #tpu.memory_space<vmem>>, %arg16: memref<!tpu.dma_semaphore, #tpu.memory_space<semaphore_mem>>, %arg17: memref<!tpu.dma_semaphore, #tpu.memory_space<semaphore_mem>>, %arg18: memref<!tpu.dma_semaphore, #tpu.memory_space<semaphore_mem>>, %arg19: memref<!tpu.dma_semaphore, #tpu.memory_space<semaphore_mem>>, %arg20: memref<!tpu.dma_semaphore, #tpu.memory_space<semaphore_mem>>, %arg21: memref<!tpu.dma_semaphore, #tpu.memory_space<semaphore_mem>>, %arg22: memref<!tpu.dma_semaphore, #tpu.memory_space<semaphore_mem>>, %arg23: memref<!tpu.dma_semaphore, #tpu.memory_space<semaphore_mem>>, %arg24: memref<!tpu.dma_semaphore, #tpu.memory_space<semaphore_mem>>, %arg25: memref<!tpu.dma_semaphore, #tpu.memory_space<semaphore_mem>>) attributes {dimension_semantics = [#tpu.dimension_semantics<core_parallel>, #tpu.dimension_semantics<subcore_parallel>], iteration_bounds = array<i64: 2, 16>, scalar_prefetch = 0 : i64, scratch_operands = 19 : i64, tpu.core_type = #tpu.core_type<sc_vector_subcore>, window_params = [{transform_indices = #map}, {transform_indices = #map}, {transform_indices = #map1}, {transform_indices = #map1}, {transform_indices = #map}]} {
    %mul3A = arith.constant 2 : i32
    %mul3A_0 = arith.muli %arg1, %mul3A : i32
    %add3A = arith.addi %mul3A_0, %arg0 : i32
    %mul3A_1 = arith.constant 128 : i32
    %mul3A_2 = arith.muli %add3A, %mul3A_1 : i32
    tpu.enqueue_dma source(%arg5 : memref<1024xi32, #tpu.memory_space<hbm>>) target(%arg7 : memref<1024xi32, #tpu.memory_space<vmem>>) target_semaphore(%arg16 : memref<!tpu.dma_semaphore, #tpu.memory_space<semaphore_mem>>)
    %dma_start3A = tpu.memref_slice %arg4[%mul3A_2] : memref<4096xi32, #tpu.memory_space<hbm>> -> memref<128xi32, #tpu.memory_space<hbm>>
    %dma_start3A_3 = tpu.memref_slice %arg4[%mul3A_2] : memref<4096xi32, #tpu.memory_space<hbm>> -> memref<128xi32, #tpu.memory_space<hbm>>
    tpu.enqueue_dma source(%dma_start3A_3 : memref<128xi32, #tpu.memory_space<hbm>>) target(%arg8 : memref<128xi32, #tpu.memory_space<vmem>>) target_semaphore(%arg17 : memref<!tpu.dma_semaphore, #tpu.memory_space<semaphore_mem>>)
    tpu.wait_dma2 semaphore(%arg16 : memref<!tpu.dma_semaphore, #tpu.memory_space<semaphore_mem>>) src(%arg5 : memref<1024xi32, #tpu.memory_space<hbm>>) dst(%arg7 : memref<1024xi32, #tpu.memory_space<vmem>>)
    %dma_wait3A = tpu.memref_slice %arg4[%mul3A_2] : memref<4096xi32, #tpu.memory_space<hbm>> -> memref<128xi32, #tpu.memory_space<hbm>>
    %dma_wait3A_4 = tpu.memref_slice %arg4[%mul3A_2] : memref<4096xi32, #tpu.memory_space<hbm>> -> memref<128xi32, #tpu.memory_space<hbm>>
    tpu.wait_dma2 semaphore(%arg17 : memref<!tpu.dma_semaphore, #tpu.memory_space<semaphore_mem>>) src(%dma_wait3A_4 : memref<128xi32, #tpu.memory_space<hbm>>) dst(%arg8 : memref<128xi32, #tpu.memory_space<vmem>>)
    %get3A = arith.constant 0 : index
    %get3A_5 = tpu.vector_load %arg8[%get3A] {strides = array<i32>} : memref<128xi32, #tpu.memory_space<vmem>>, vector<16xi32>,
    %shift_right_logical3A = arith.constant 4 : i32
    %shift_right_logical3A_6 = vector.broadcast %shift_right_logical3A : i32 to vector<16xi32>
    %shift_right_logical3A_7 = arith.shrui %get3A_5, %shift_right_logical3A_6 : vector<16xi32>
    %and3A = arith.constant 15 : i32
    %and3A_8 = vector.broadcast %and3A : i32 to vector<16xi32>
    %and3A_9 = arith.andi %get3A_5, %and3A_8 : vector<16xi32>
    %gather3A = tpu.vector_load_idx %arg7[%shift_right_logical3A_7] : memref<1024xi32, #tpu.memory_space<vmem>>[vector<16xi32>], vector<16xi32>,
    %shift_left3A = arith.constant 4 : i32
    %shift_left3A_10 = vector.broadcast %shift_left3A : i32 to vector<16xi32>
    %shift_left3A_11 = arith.shli %gather3A, %shift_left3A_10 : vector<16xi32>
    %or3A = arith.ori %shift_left3A_11, %and3A_9 : vector<16xi32>
    %iota3A = tpu.iota {dimensions = array<i32: 0>} : vector<16xi32>
    %add3A_12 = arith.constant 0 : i32
    %add3A_13 = arith.addi %mul3A_2, %add3A_12 : i32
    %add3A_14 = vector.broadcast %add3A_13 : i32 to vector<16xi32>
    %add3A_15 = arith.addi %iota3A, %add3A_14 : vector<16xi32>
    tpu.vector_store_idx %arg10[%or3A], %add3A_15 : memref<16384xi32, #tpu.memory_space<vmem>>[vector<16xi32>], vector<16xi32>,
    %gather3A_16 = tpu.vector_load_idx %arg10[%or3A] : memref<16384xi32, #tpu.memory_space<vmem>>[vector<16xi32>], vector<16xi32>,
    %swap3A = arith.constant 0 : index
    %swap3A_17 = tpu.vector_load %arg9[%swap3A] {strides = array<i32>} : memref<128xi32, #tpu.memory_space<vmem>>, vector<16xi32>,
    tpu.vector_store %arg9[%swap3A], %gather3A_16 {strides = array<i32>} : memref<128xi32, #tpu.memory_space<vmem>>, vector<16xi32>,
    %get3A_18 = arith.constant 16 : index
    %get3A_19 = tpu.vector_load %arg8[%get3A_18] {strides = array<i32>} : memref<128xi32, #tpu.memory_space<vmem>>, vector<16xi32>,
    %shift_right_logical3A_20 = arith.constant 4 : i32
    %shift_right_logical3A_21 = vector.broadcast %shift_right_logical3A_20 : i32 to vector<16xi32>
    %shift_right_logical3A_22 = arith.shrui %get3A_19, %shift_right_logical3A_21 : vector<16xi32>
    %and3A_23 = arith.constant 15 : i32
    %and3A_24 = vector.broadcast %and3A_23 : i32 to vector<16xi32>
    %and3A_25 = arith.andi %get3A_19, %and3A_24 : vector<16xi32>
    %gather3A_26 = tpu.vector_load_idx %arg7[%shift_right_logical3A_22] : memref<1024xi32, #tpu.memory_space<vmem>>[vector<16xi32>], vector<16xi32>,
    %shift_left3A_27 = arith.constant 4 : i32
    %shift_left3A_28 = vector.broadcast %shift_left3A_27 : i32 to vector<16xi32>
    %shift_left3A_29 = arith.shli %gather3A_26, %shift_left3A_28 : vector<16xi32>
    %or3A_30 = arith.ori %shift_left3A_29, %and3A_25 : vector<16xi32>
    %iota3A_31 = tpu.iota {dimensions = array<i32: 0>} : vector<16xi32>
    %add3A_32 = arith.constant 16 : i32
    %add3A_33 = arith.addi %mul3A_2, %add3A_32 : i32
    %add3A_34 = vector.broadcast %add3A_33 : i32 to vector<16xi32>
    %add3A_35 = arith.addi %iota3A_31, %add3A_34 : vector<16xi32>
    tpu.vector_store_idx %arg10[%or3A_30], %add3A_35 : memref<16384xi32, #tpu.memory_space<vmem>>[vector<16xi32>], vector<16xi32>,
    %gather3A_36 = tpu.vector_load_idx %arg10[%or3A_30] : memref<16384xi32, #tpu.memory_space<vmem>>[vector<16xi32>], vector<16xi32>,
    %swap3A_37 = arith.constant 16 : index
    %swap3A_38 = tpu.vector_load %arg9[%swap3A_37] {strides = array<i32>} : memref<128xi32, #tpu.memory_space<vmem>>, vector<16xi32>,
    tpu.vector_store %arg9[%swap3A_37], %gather3A_36 {strides = array<i32>} : memref<128xi32, #tpu.memory_space<vmem>>, vector<16xi32>,
    %get3A_39 = arith.constant 32 : index
    %get3A_40 = tpu.vector_load %arg8[%get3A_39] {strides = array<i32>} : memref<128xi32, #tpu.memory_space<vmem>>, vector<16xi32>,
    %shift_right_logical3A_41 = arith.constant 4 : i32
    %shift_right_logical3A_42 = vector.broadcast %shift_right_logical3A_41 : i32 to vector<16xi32>
    %shift_right_logical3A_43 = arith.shrui %get3A_40, %shift_right_logical3A_42 : vector<16xi32>
    %and3A_44 = arith.constant 15 : i32
    %and3A_45 = vector.broadcast %and3A_44 : i32 to vector<16xi32>
    %and3A_46 = arith.andi %get3A_40, %and3A_45 : vector<16xi32>
    %gather3A_47 = tpu.vector_load_idx %arg7[%shift_right_logical3A_43] : memref<1024xi32, #tpu.memory_space<vmem>>[vector<16xi32>], vector<16xi32>,
    %shift_left3A_48 = arith.constant 4 : i32
    %shift_left3A_49 = vector.broadcast %shift_left3A_48 : i32 to vector<16xi32>
    %shift_left3A_50 = arith.shli %gather3A_47, %shift_left3A_49 : vector<16xi32>
    %or3A_51 = arith.ori %shift_left3A_50, %and3A_46 : vector<16xi32>
    %iota3A_52 = tpu.iota {dimensions = array<i32: 0>} : vector<16xi32>
    %add3A_53 = arith.constant 32 : i32
    %add3A_54 = arith.addi %mul3A_2, %add3A_53 : i32
    %add3A_55 = vector.broadcast %add3A_54 : i32 to vector<16xi32>
    %add3A_56 = arith.addi %iota3A_52, %add3A_55 : vector<16xi32>
    tpu.vector_store_idx %arg10[%or3A_51], %add3A_56 : memref<16384xi32, #tpu.memory_space<vmem>>[vector<16xi32>], vector<16xi32>,
    %gather3A_57 = tpu.vector_load_idx %arg10[%or3A_51] : memref<16384xi32, #tpu.memory_space<vmem>>[vector<16xi32>], vector<16xi32>,
    %swap3A_58 = arith.constant 32 : index
    %swap3A_59 = tpu.vector_load %arg9[%swap3A_58] {strides = array<i32>} : memref<128xi32, #tpu.memory_space<vmem>>, vector<16xi32>,
    tpu.vector_store %arg9[%swap3A_58], %gather3A_57 {strides = array<i32>} : memref<128xi32, #tpu.memory_space<vmem>>, vector<16xi32>,
    %get3A_60 = arith.constant 48 : index
    %get3A_61 = tpu.vector_load %arg8[%get3A_60] {strides = array<i32>} : memref<128xi32, #tpu.memory_space<vmem>>, vector<16xi32>,
    %shift_right_logical3A_62 = arith.constant 4 : i32
    %shift_right_logical3A_63 = vector.broadcast %shift_right_logical3A_62 : i32 to vector<16xi32>
    %shift_right_logical3A_64 = arith.shrui %get3A_61, %shift_right_logical3A_63 : vector<16xi32>
    %and3A_65 = arith.constant 15 : i32
    %and3A_66 = vector.broadcast %and3A_65 : i32 to vector<16xi32>
    %and3A_67 = arith.andi %get3A_61, %and3A_66 : vector<16xi32>
    %gather3A_68 = tpu.vector_load_idx %arg7[%shift_right_logical3A_64] : memref<1024xi32, #tpu.memory_space<vmem>>[vector<16xi32>], vector<16xi32>,
    %shift_left3A_69 = arith.constant 4 : i32
    %shift_left3A_70 = vector.broadcast %shift_left3A_69 : i32 to vector<16xi32>
    %shift_left3A_71 = arith.shli %gather3A_68, %shift_left3A_70 : vector<16xi32>
    %or3A_72 = arith.ori %shift_left3A_71, %and3A_67 : vector<16xi32>
    %iota3A_73 = tpu.iota {dimensions = array<i32: 0>} : vector<16xi32>
    %add3A_74 = arith.constant 48 : i32
    %add3A_75 = arith.addi %mul3A_2, %add3A_74 : i32
    %add3A_76 = vector.broadcast %add3A_75 : i32 to vector<16xi32>
    %add3A_77 = arith.addi %iota3A_73, %add3A_76 : vector<16xi32>
    tpu.vector_store_idx %arg10[%or3A_72], %add3A_77 : memref<16384xi32, #tpu.memory_space<vmem>>[vector<16xi32>], vector<16xi32>,
    %gather3A_78 = tpu.vector_load_idx %arg10[%or3A_72] : memref<16384xi32, #tpu.memory_space<vmem>>[vector<16xi32>], vector<16xi32>,
    %swap3A_79 = arith.constant 48 : index
    %swap3A_80 = tpu.vector_load %arg9[%swap3A_79] {strides = array<i32>} : memref<128xi32, #tpu.memory_space<vmem>>, vector<16xi32>,
    tpu.vector_store %arg9[%swap3A_79], %gather3A_78 {strides = array<i32>} : memref<128xi32, #tpu.memory_space<vmem>>, vector<16xi32>,
    %get3A_81 = arith.constant 64 : index
    %get3A_82 = tpu.vector_load %arg8[%get3A_81] {strides = array<i32>} : memref<128xi32, #tpu.memory_space<vmem>>, vector<16xi32>,
    %shift_right_logical3A_83 = arith.constant 4 : i32
    %shift_right_logical3A_84 = vector.broadcast %shift_right_logical3A_83 : i32 to vector<16xi32>
    %shift_right_logical3A_85 = arith.shrui %get3A_82, %shift_right_logical3A_84 : vector<16xi32>
    %and3A_86 = arith.constant 15 : i32
    %and3A_87 = vector.broadcast %and3A_86 : i32 to vector<16xi32>
    %and3A_88 = arith.andi %get3A_82, %and3A_87 : vector<16xi32>
    %gather3A_89 = tpu.vector_load_idx %arg7[%shift_right_logical3A_85] : memref<1024xi32, #tpu.memory_space<vmem>>[vector<16xi32>], vector<16xi32>,
    %shift_left3A_90 = arith.constant 4 : i32
    %shift_left3A_91 = vector.broadcast %shift_left3A_90 : i32 to vector<16xi32>
    %shift_left3A_92 = arith.shli %gather3A_89, %shift_left3A_91 : vector<16xi32>
    %or3A_93 = arith.ori %shift_left3A_92, %and3A_88 : vector<16xi32>
    %iota3A_94 = tpu.iota {dimensions = array<i32: 0>} : vector<16xi32>
    %add3A_95 = arith.constant 64 : i32
    %add3A_96 = arith.addi %mul3A_2, %add3A_95 : i32
    %add3A_97 = vector.broadcast %add3A_96 : i32 to vector<16xi32>
    %add3A_98 = arith.addi %iota3A_94, %add3A_97 : vector<16xi32>
    tpu.vector_store_idx %arg10[%or3A_93], %add3A_98 : memref<16384xi32, #tpu.memory_space<vmem>>[vector<16xi32>], vector<16xi32>,
    %gather3A_99 = tpu.vector_load_idx %arg10[%or3A_93] : memref<16384xi32, #tpu.memory_space<vmem>>[vector<16xi32>], vector<16xi32>,
    %swap3A_100 = arith.constant 64 : index
    %swap3A_101 = tpu.vector_load %arg9[%swap3A_100] {strides = array<i32>} : memref<128xi32, #tpu.memory_space<vmem>>, vector<16xi32>,
    tpu.vector_store %arg9[%swap3A_100], %gather3A_99 {strides = array<i32>} : memref<128xi32, #tpu.memory_space<vmem>>, vector<16xi32>,
    %get3A_102 = arith.constant 80 : index
    %get3A_103 = tpu.vector_load %arg8[%get3A_102] {strides = array<i32>} : memref<128xi32, #tpu.memory_space<vmem>>, vector<16xi32>,
    %shift_right_logical3A_104 = arith.constant 4 : i32
    %shift_right_logical3A_105 = vector.broadcast %shift_right_logical3A_104 : i32 to vector<16xi32>
    %shift_right_logical3A_106 = arith.shrui %get3A_103, %shift_right_logical3A_105 : vector<16xi32>
    %and3A_107 = arith.constant 15 : i32
    %and3A_108 = vector.broadcast %and3A_107 : i32 to vector<16xi32>
    %and3A_109 = arith.andi %get3A_103, %and3A_108 : vector<16xi32>
    %gather3A_110 = tpu.vector_load_idx %arg7[%shift_right_logical3A_106] : memref<1024xi32, #tpu.memory_space<vmem>>[vector<16xi32>], vector<16xi32>,
    %shift_left3A_111 = arith.constant 4 : i32
    %shift_left3A_112 = vector.broadcast %shift_left3A_111 : i32 to vector<16xi32>
    %shift_left3A_113 = arith.shli %gather3A_110, %shift_left3A_112 : vector<16xi32>
    %or3A_114 = arith.ori %shift_left3A_113, %and3A_109 : vector<16xi32>
    %iota3A_115 = tpu.iota {dimensions = array<i32: 0>} : vector<16xi32>
    %add3A_116 = arith.constant 80 : i32
    %add3A_117 = arith.addi %mul3A_2, %add3A_116 : i32
    %add3A_118 = vector.broadcast %add3A_117 : i32 to vector<16xi32>
    %add3A_119 = arith.addi %iota3A_115, %add3A_118 : vector<16xi32>
    tpu.vector_store_idx %arg10[%or3A_114], %add3A_119 : memref<16384xi32, #tpu.memory_space<vmem>>[vector<16xi32>], vector<16xi32>,
    %gather3A_120 = tpu.vector_load_idx %arg10[%or3A_114] : memref<16384xi32, #tpu.memory_space<vmem>>[vector<16xi32>], vector<16xi32>,
    %swap3A_121 = arith.constant 80 : index
    %swap3A_122 = tpu.vector_load %arg9[%swap3A_121] {strides = array<i32>} : memref<128xi32, #tpu.memory_space<vmem>>, vector<16xi32>,
    tpu.vector_store %arg9[%swap3A_121], %gather3A_120 {strides = array<i32>} : memref<128xi32, #tpu.memory_space<vmem>>, vector<16xi32>,
    %get3A_123 = arith.constant 96 : index
    %get3A_124 = tpu.vector_load %arg8[%get3A_123] {strides = array<i32>} : memref<128xi32, #tpu.memory_space<vmem>>, vector<16xi32>,
    %shift_right_logical3A_125 = arith.constant 4 : i32
    %shift_right_logical3A_126 = vector.broadcast %shift_right_logical3A_125 : i32 to vector<16xi32>
    %shift_right_logical3A_127 = arith.shrui %get3A_124, %shift_right_logical3A_126 : vector<16xi32>
    %and3A_128 = arith.constant 15 : i32
    %and3A_129 = vector.broadcast %and3A_128 : i32 to vector<16xi32>
    %and3A_130 = arith.andi %get3A_124, %and3A_129 : vector<16xi32>
    %gather3A_131 = tpu.vector_load_idx %arg7[%shift_right_logical3A_127] : memref<1024xi32, #tpu.memory_space<vmem>>[vector<16xi32>], vector<16xi32>,
    %shift_left3A_132 = arith.constant 4 : i32
    %shift_left3A_133 = vector.broadcast %shift_left3A_132 : i32 to vector<16xi32>
    %shift_left3A_134 = arith.shli %gather3A_131, %shift_left3A_133 : vector<16xi32>
    %or3A_135 = arith.ori %shift_left3A_134, %and3A_130 : vector<16xi32>
    %iota3A_136 = tpu.iota {dimensions = array<i32: 0>} : vector<16xi32>
    %add3A_137 = arith.constant 96 : i32
    %add3A_138 = arith.addi %mul3A_2, %add3A_137 : i32
    %add3A_139 = vector.broadcast %add3A_138 : i32 to vector<16xi32>
    %add3A_140 = arith.addi %iota3A_136, %add3A_139 : vector<16xi32>
    tpu.vector_store_idx %arg10[%or3A_135], %add3A_140 : memref<16384xi32, #tpu.memory_space<vmem>>[vector<16xi32>], vector<16xi32>,
    %gather3A_141 = tpu.vector_load_idx %arg10[%or3A_135] : memref<16384xi32, #tpu.memory_space<vmem>>[vector<16xi32>], vector<16xi32>,
    %swap3A_142 = arith.constant 96 : index
    %swap3A_143 = tpu.vector_load %arg9[%swap3A_142] {strides = array<i32>} : memref<128xi32, #tpu.memory_space<vmem>>, vector<16xi32>,
    tpu.vector_store %arg9[%swap3A_142], %gather3A_141 {strides = array<i32>} : memref<128xi32, #tpu.memory_space<vmem>>, vector<16xi32>,
    %get3A_144 = arith.constant 112 : index
    %get3A_145 = tpu.vector_load %arg8[%get3A_144] {strides = array<i32>} : memref<128xi32, #tpu.memory_space<vmem>>, vector<16xi32>,
    %shift_right_logical3A_146 = arith.constant 4 : i32
    %shift_right_logical3A_147 = vector.broadcast %shift_right_logical3A_146 : i32 to vector<16xi32>
    %shift_right_logical3A_148 = arith.shrui %get3A_145, %shift_right_logical3A_147 : vector<16xi32>
    %and3A_149 = arith.constant 15 : i32
    %and3A_150 = vector.broadcast %and3A_149 : i32 to vector<16xi32>
    %and3A_151 = arith.andi %get3A_145, %and3A_150 : vector<16xi32>
    %gather3A_152 = tpu.vector_load_idx %arg7[%shift_right_logical3A_148] : memref<1024xi32, #tpu.memory_space<vmem>>[vector<16xi32>], vector<16xi32>,
    %shift_left3A_153 = arith.constant 4 : i32
    %shift_left3A_154 = vector.broadcast %shift_left3A_153 : i32 to vector<16xi32>
    %shift_left3A_155 = arith.shli %gather3A_152, %shift_left3A_154 : vector<16xi32>
    %or3A_156 = arith.ori %shift_left3A_155, %and3A_151 : vector<16xi32>
    %iota3A_157 = tpu.iota {dimensions = array<i32: 0>} : vector<16xi32>
    %add3A_158 = arith.constant 112 : i32
    %add3A_159 = arith.addi %mul3A_2, %add3A_158 : i32
    %add3A_160 = vector.broadcast %add3A_159 : i32 to vector<16xi32>
    %add3A_161 = arith.addi %iota3A_157, %add3A_160 : vector<16xi32>
    tpu.vector_store_idx %arg10[%or3A_156], %add3A_161 : memref<16384xi32, #tpu.memory_space<vmem>>[vector<16xi32>], vector<16xi32>,
    %gather3A_162 = tpu.vector_load_idx %arg10[%or3A_156] : memref<16384xi32, #tpu.memory_space<vmem>>[vector<16xi32>], vector<16xi32>,
    %swap3A_163 = arith.constant 112 : index
    %swap3A_164 = tpu.vector_load %arg9[%swap3A_163] {strides = array<i32>} : memref<128xi32, #tpu.memory_space<vmem>>, vector<16xi32>,
    tpu.vector_store %arg9[%swap3A_163], %gather3A_162 {strides = array<i32>} : memref<128xi32, #tpu.memory_space<vmem>>, vector<16xi32>,
    %dma_start3A_165 = arith.constant 0 : i32
    %dma_start3A_166 = arith.constant 0 : i32
    %dma_start3A_167 = tpu.memref_slice %arg2[%dma_start3A_165, %dma_start3A_166] : memref<65536x128xf32, #tpu.memory_space<hbm>> -> memref<4096x128xf32, #tpu.memory_space<hbm>>
    %dma_start3A_168 = arith.constant 0 : i32
    %dma_start3A_169 = arith.constant 0 : i32
    %dma_start3A_170 = tpu.memref_slice %dma_start3A_167[%dma_start3A_168, %dma_start3A_169] : memref<4096x128xf32, #tpu.memory_space<hbm>> -> memref<4096x128xf32, #tpu.memory_space<hbm>>
    tpu.enqueue_indirect_dma source(%dma_start3A_170 : memref<4096x128xf32, #tpu.memory_space<hbm>>) target(%arg11 : memref<128x128xf32, #tpu.memory_space<vmem>>) offsets(%arg9 : memref<128xi32, #tpu.memory_space<vmem>>) semaphore(%arg16 : memref<!tpu.dma_semaphore, #tpu.memory_space<semaphore_mem>>)
    %dma_start3A_171 = arith.constant 4096 : i32
    %dma_start3A_172 = arith.constant 0 : i32
    %dma_start3A_173 = tpu.memref_slice %arg2[%dma_start3A_171, %dma_start3A_172] : memref<65536x128xf32, #tpu.memory_space<hbm>> -> memref<4096x128xf32, #tpu.memory_space<hbm>>
    %dma_start3A_174 = arith.constant 0 : i32
    %dma_start3A_175 = arith.constant 0 : i32
    %dma_start3A_176 = tpu.memref_slice %dma_start3A_173[%dma_start3A_174, %dma_start3A_175] : memref<4096x128xf32, #tpu.memory_space<hbm>> -> memref<4096x128xf32, #tpu.memory_space<hbm>>
    tpu.enqueue_indirect_dma source(%dma_start3A_176 : memref<4096x128xf32, #tpu.memory_space<hbm>>) target(%arg12 : memref<128x128xf32, #tpu.memory_space<vmem>>) offsets(%arg9 : memref<128xi32, #tpu.memory_space<vmem>>) semaphore(%arg17 : memref<!tpu.dma_semaphore, #tpu.memory_space<semaphore_mem>>)
    %dma_start3A_177 = arith.constant 8192 : i32
    %dma_start3A_178 = arith.constant 0 : i32
    %dma_start3A_179 = tpu.memref_slice %arg2[%dma_start3A_177, %dma_start3A_178] : memref<65536x128xf32, #tpu.memory_space<hbm>> -> memref<4096x128xf32, #tpu.memory_space<hbm>>
    %dma_start3A_180 = arith.constant 0 : i32
    %dma_start3A_181 = arith.constant 0 : i32
    %dma_start3A_182 = tpu.memref_slice %dma_start3A_179[%dma_start3A_180, %dma_start3A_181] : memref<4096x128xf32, #tpu.memory_space<hbm>> -> memref<4096x128xf32, #tpu.memory_space<hbm>>
    tpu.enqueue_indirect_dma source(%dma_start3A_182 : memref<4096x128xf32, #tpu.memory_space<hbm>>) target(%arg13 : memref<128x128xf32, #tpu.memory_space<vmem>>) offsets(%arg9 : memref<128xi32, #tpu.memory_space<vmem>>) semaphore(%arg18 : memref<!tpu.dma_semaphore, #tpu.memory_space<semaphore_mem>>)
    %dma_wait3A_183 = arith.constant 0 : i32
    %dma_wait3A_184 = arith.constant 0 : i32
    %dma_wait3A_185 = tpu.memref_slice %arg2[%dma_wait3A_183, %dma_wait3A_184] : memref<65536x128xf32, #tpu.memory_space<hbm>> -> memref<4096x128xf32, #tpu.memory_space<hbm>>
    %dma_wait3A_186 = arith.constant 0 : i32
    %dma_wait3A_187 = arith.constant 0 : i32
    %dma_wait3A_188 = tpu.memref_slice %dma_wait3A_185[%dma_wait3A_186, %dma_wait3A_187] : memref<4096x128xf32, #tpu.memory_space<hbm>> -> memref<4096x128xf32, #tpu.memory_space<hbm>>
    tpu.wait_indirect_dma semaphore(%arg16 : memref<!tpu.dma_semaphore, #tpu.memory_space<semaphore_mem>>) src(%dma_wait3A_188 : memref<4096x128xf32, #tpu.memory_space<hbm>>) dst(%arg11 : memref<128x128xf32, #tpu.memory_space<vmem>>)
    %add3A_189 = arith.constant 0 : i32
    %add3A_190 = arith.addi %add3A_189, %mul3A_2 : i32
    %dma_start3A_191 = arith.constant 0 : i32
    %dma_start3A_192 = tpu.memref_slice %arg6[%add3A_190, %dma_start3A_191] : memref<131072x128xf32, #tpu.memory_space<hbm>> -> memref<128x128xf32, #tpu.memory_space<hbm>>
    %dma_start3A_193 = arith.constant 0 : i32
    %dma_start3A_194 = tpu.memref_slice %arg6[%add3A_190, %dma_start3A_193] : memref<131072x128xf32, #tpu.memory_space<hbm>> -> memref<128x128xf32, #tpu.memory_space<hbm>>
    tpu.enqueue_dma source(%arg11 : memref<128x128xf32, #tpu.memory_space<vmem>>) target(%dma_start3A_194 : memref<128x128xf32, #tpu.memory_space<hbm>>) target_semaphore(%arg21 : memref<!tpu.dma_semaphore, #tpu.memory_space<semaphore_mem>>)
    %dma_start3A_195 = arith.constant 12288 : i32
    %dma_start3A_196 = arith.constant 0 : i32
    %dma_start3A_197 = tpu.memref_slice %arg2[%dma_start3A_195, %dma_start3A_196] : memref<65536x128xf32, #tpu.memory_space<hbm>> -> memref<4096x128xf32, #tpu.memory_space<hbm>>
    %dma_start3A_198 = arith.constant 0 : i32
    %dma_start3A_199 = arith.constant 0 : i32
    %dma_start3A_200 = tpu.memref_slice %dma_start3A_197[%dma_start3A_198, %dma_start3A_199] : memref<4096x128xf32, #tpu.memory_space<hbm>> -> memref<4096x128xf32, #tpu.memory_space<hbm>>
    tpu.enqueue_indirect_dma source(%dma_start3A_200 : memref<4096x128xf32, #tpu.memory_space<hbm>>) target(%arg14 : memref<128x128xf32, #tpu.memory_space<vmem>>) offsets(%arg9 : memref<128xi32, #tpu.memory_space<vmem>>) semaphore(%arg19 : memref<!tpu.dma_semaphore, #tpu.memory_space<semaphore_mem>>)
    %dma_wait3A_201 = arith.constant 4096 : i32
    %dma_wait3A_202 = arith.constant 0 : i32
    %dma_wait3A_203 = tpu.memref_slice %arg2[%dma_wait3A_201, %dma_wait3A_202] : memref<65536x128xf32, #tpu.memory_space<hbm>> -> memref<4096x128xf32, #tpu.memory_space<hbm>>
    %dma_wait3A_204 = arith.constant 0 : i32
    %dma_wait3A_205 = arith.constant 0 : i32
    %dma_wait3A_206 = tpu.memref_slice %dma_wait3A_203[%dma_wait3A_204, %dma_wait3A_205] : memref<4096x128xf32, #tpu.memory_space<hbm>> -> memref<4096x128xf32, #tpu.memory_space<hbm>>
    tpu.wait_indirect_dma semaphore(%arg17 : memref<!tpu.dma_semaphore, #tpu.memory_space<semaphore_mem>>) src(%dma_wait3A_206 : memref<4096x128xf32, #tpu.memory_space<hbm>>) dst(%arg12 : memref<128x128xf32, #tpu.memory_space<vmem>>)
    %add3A_207 = arith.constant 4096 : i32
    %add3A_208 = arith.addi %add3A_207, %mul3A_2 : i32
    %dma_start3A_209 = arith.constant 0 : i32
    %dma_start3A_210 = tpu.memref_slice %arg6[%add3A_208, %dma_start3A_209] : memref<131072x128xf32, #tpu.memory_space<hbm>> -> memref<128x128xf32, #tpu.memory_space<hbm>>
    %dma_start3A_211 = arith.constant 0 : i32
    %dma_start3A_212 = tpu.memref_slice %arg6[%add3A_208, %dma_start3A_211] : memref<131072x128xf32, #tpu.memory_space<hbm>> -> memref<128x128xf32, #tpu.memory_space<hbm>>
    tpu.enqueue_dma source(%arg12 : memref<128x128xf32, #tpu.memory_space<vmem>>) target(%dma_start3A_212 : memref<128x128xf32, #tpu.memory_space<hbm>>) target_semaphore(%arg22 : memref<!tpu.dma_semaphore, #tpu.memory_space<semaphore_mem>>)
    %dma_start3A_213 = arith.constant 16384 : i32
    %dma_start3A_214 = arith.constant 0 : i32
    %dma_start3A_215 = tpu.memref_slice %arg2[%dma_start3A_213, %dma_start3A_214] : memref<65536x128xf32, #tpu.memory_space<hbm>> -> memref<4096x128xf32, #tpu.memory_space<hbm>>
    %dma_start3A_216 = arith.constant 0 : i32
    %dma_start3A_217 = arith.constant 0 : i32
    %dma_start3A_218 = tpu.memref_slice %dma_start3A_215[%dma_start3A_216, %dma_start3A_217] : memref<4096x128xf32, #tpu.memory_space<hbm>> -> memref<4096x128xf32, #tpu.memory_space<hbm>>
    tpu.enqueue_indirect_dma source(%dma_start3A_218 : memref<4096x128xf32, #tpu.memory_space<hbm>>) target(%arg15 : memref<128x128xf32, #tpu.memory_space<vmem>>) offsets(%arg9 : memref<128xi32, #tpu.memory_space<vmem>>) semaphore(%arg20 : memref<!tpu.dma_semaphore, #tpu.memory_space<semaphore_mem>>)
    %dma_wait3A_219 = arith.constant 8192 : i32
    %dma_wait3A_220 = arith.constant 0 : i32
    %dma_wait3A_221 = tpu.memref_slice %arg2[%dma_wait3A_219, %dma_wait3A_220] : memref<65536x128xf32, #tpu.memory_space<hbm>> -> memref<4096x128xf32, #tpu.memory_space<hbm>>
    %dma_wait3A_222 = arith.constant 0 : i32
    %dma_wait3A_223 = arith.constant 0 : i32
    %dma_wait3A_224 = tpu.memref_slice %dma_wait3A_221[%dma_wait3A_222, %dma_wait3A_223] : memref<4096x128xf32, #tpu.memory_space<hbm>> -> memref<4096x128xf32, #tpu.memory_space<hbm>>
    tpu.wait_indirect_dma semaphore(%arg18 : memref<!tpu.dma_semaphore, #tpu.memory_space<semaphore_mem>>) src(%dma_wait3A_224 : memref<4096x128xf32, #tpu.memory_space<hbm>>) dst(%arg13 : memref<128x128xf32, #tpu.memory_space<vmem>>)
    %add3A_225 = arith.constant 8192 : i32
    %add3A_226 = arith.addi %add3A_225, %mul3A_2 : i32
    %dma_start3A_227 = arith.constant 0 : i32
    %dma_start3A_228 = tpu.memref_slice %arg6[%add3A_226, %dma_start3A_227] : memref<131072x128xf32, #tpu.memory_space<hbm>> -> memref<128x128xf32, #tpu.memory_space<hbm>>
    %dma_start3A_229 = arith.constant 0 : i32
    %dma_start3A_230 = tpu.memref_slice %arg6[%add3A_226, %dma_start3A_229] : memref<131072x128xf32, #tpu.memory_space<hbm>> -> memref<128x128xf32, #tpu.memory_space<hbm>>
    tpu.enqueue_dma source(%arg13 : memref<128x128xf32, #tpu.memory_space<vmem>>) target(%dma_start3A_230 : memref<128x128xf32, #tpu.memory_space<hbm>>) target_semaphore(%arg23 : memref<!tpu.dma_semaphore, #tpu.memory_space<semaphore_mem>>)
    %add3A_231 = arith.constant 0 : i32
    %add3A_232 = arith.addi %add3A_231, %mul3A_2 : i32
    %dma_wait3A_233 = arith.constant 0 : i32
    %dma_wait3A_234 = tpu.memref_slice %arg6[%add3A_232, %dma_wait3A_233] : memref<131072x128xf32, #tpu.memory_space<hbm>> -> memref<128x128xf32, #tpu.memory_space<hbm>>
    %dma_wait3A_235 = arith.constant 0 : i32
    %dma_wait3A_236 = tpu.memref_slice %arg6[%add3A_232, %dma_wait3A_235] : memref<131072x128xf32, #tpu.memory_space<hbm>> -> memref<128x128xf32, #tpu.memory_space<hbm>>
    tpu.wait_dma2 semaphore(%arg21 : memref<!tpu.dma_semaphore, #tpu.memory_space<semaphore_mem>>) src(%arg11 : memref<128x128xf32, #tpu.memory_space<vmem>>) dst(%dma_wait3A_236 : memref<128x128xf32, #tpu.memory_space<hbm>>)
    %dma_start3A_237 = arith.constant 20480 : i32
    %dma_start3A_238 = arith.constant 0 : i32
    %dma_start3A_239 = tpu.memref_slice %arg2[%dma_start3A_237, %dma_start3A_238] : memref<65536x128xf32, #tpu.memory_space<hbm>> -> memref<4096x128xf32, #tpu.memory_space<hbm>>
    %dma_start3A_240 = arith.constant 0 : i32
    %dma_start3A_241 = arith.constant 0 : i32
    %dma_start3A_242 = tpu.memref_slice %dma_start3A_239[%dma_start3A_240, %dma_start3A_241] : memref<4096x128xf32, #tpu.memory_space<hbm>> -> memref<4096x128xf32, #tpu.memory_space<hbm>>
    tpu.enqueue_indirect_dma source(%dma_start3A_242 : memref<4096x128xf32, #tpu.memory_space<hbm>>) target(%arg11 : memref<128x128xf32, #tpu.memory_space<vmem>>) offsets(%arg9 : memref<128xi32, #tpu.memory_space<vmem>>) semaphore(%arg16 : memref<!tpu.dma_semaphore, #tpu.memory_space<semaphore_mem>>)
    %dma_wait3A_243 = arith.constant 12288 : i32
    %dma_wait3A_244 = arith.constant 0 : i32
    %dma_wait3A_245 = tpu.memref_slice %arg2[%dma_wait3A_243, %dma_wait3A_244] : memref<65536x128xf32, #tpu.memory_space<hbm>> -> memref<4096x128xf32, #tpu.memory_space<hbm>>
    %dma_wait3A_246 = arith.constant 0 : i32
    %dma_wait3A_247 = arith.constant 0 : i32
    %dma_wait3A_248 = tpu.memref_slice %dma_wait3A_245[%dma_wait3A_246, %dma_wait3A_247] : memref<4096x128xf32, #tpu.memory_space<hbm>> -> memref<4096x128xf32, #tpu.memory_space<hbm>>
    tpu.wait_indirect_dma semaphore(%arg19 : memref<!tpu.dma_semaphore, #tpu.memory_space<semaphore_mem>>) src(%dma_wait3A_248 : memref<4096x128xf32, #tpu.memory_space<hbm>>) dst(%arg14 : memref<128x128xf32, #tpu.memory_space<vmem>>)
    %add3A_249 = arith.constant 12288 : i32
    %add3A_250 = arith.addi %add3A_249, %mul3A_2 : i32
    %dma_start3A_251 = arith.constant 0 : i32
    %dma_start3A_252 = tpu.memref_slice %arg6[%add3A_250, %dma_start3A_251] : memref<131072x128xf32, #tpu.memory_space<hbm>> -> memref<128x128xf32, #tpu.memory_space<hbm>>
    %dma_start3A_253 = arith.constant 0 : i32
    %dma_start3A_254 = tpu.memref_slice %arg6[%add3A_250, %dma_start3A_253] : memref<131072x128xf32, #tpu.memory_space<hbm>> -> memref<128x128xf32, #tpu.memory_space<hbm>>
    tpu.enqueue_dma source(%arg14 : memref<128x128xf32, #tpu.memory_space<vmem>>) target(%dma_start3A_254 : memref<128x128xf32, #tpu.memory_space<hbm>>) target_semaphore(%arg24 : memref<!tpu.dma_semaphore, #tpu.memory_space<semaphore_mem>>)
    %add3A_255 = arith.constant 4096 : i32
    %add3A_256 = arith.addi %add3A_255, %mul3A_2 : i32
    %dma_wait3A_257 = arith.constant 0 : i32
    %dma_wait3A_258 = tpu.memref_slice %arg6[%add3A_256, %dma_wait3A_257] : memref<131072x128xf32, #tpu.memory_space<hbm>> -> memref<128x128xf32, #tpu.memory_space<hbm>>
    %dma_wait3A_259 = arith.constant 0 : i32
    %dma_wait3A_260 = tpu.memref_slice %arg6[%add3A_256, %dma_wait3A_259] : memref<131072x128xf32, #tpu.memory_space<hbm>> -> memref<128x128xf32, #tpu.memory_space<hbm>>
    tpu.wait_dma2 semaphore(%arg22 : memref<!tpu.dma_semaphore, #tpu.memory_space<semaphore_mem>>) src(%arg12 : memref<128x128xf32, #tpu.memory_space<vmem>>) dst(%dma_wait3A_260 : memref<128x128xf32, #tpu.memory_space<hbm>>)
    %dma_start3A_261 = arith.constant 24576 : i32
    %dma_start3A_262 = arith.constant 0 : i32
    %dma_start3A_263 = tpu.memref_slice %arg2[%dma_start3A_261, %dma_start3A_262] : memref<65536x128xf32, #tpu.memory_space<hbm>> -> memref<4096x128xf32, #tpu.memory_space<hbm>>
    %dma_start3A_264 = arith.constant 0 : i32
    %dma_start3A_265 = arith.constant 0 : i32
    %dma_start3A_266 = tpu.memref_slice %dma_start3A_263[%dma_start3A_264, %dma_start3A_265] : memref<4096x128xf32, #tpu.memory_space<hbm>> -> memref<4096x128xf32, #tpu.memory_space<hbm>>
    tpu.enqueue_indirect_dma source(%dma_start3A_266 : memref<4096x128xf32, #tpu.memory_space<hbm>>) target(%arg12 : memref<128x128xf32, #tpu.memory_space<vmem>>) offsets(%arg9 : memref<128xi32, #tpu.memory_space<vmem>>) semaphore(%arg17 : memref<!tpu.dma_semaphore, #tpu.memory_space<semaphore_mem>>)
    %dma_wait3A_267 = arith.constant 16384 : i32
    %dma_wait3A_268 = arith.constant 0 : i32
    %dma_wait3A_269 = tpu.memref_slice %arg2[%dma_wait3A_267, %dma_wait3A_268] : memref<65536x128xf32, #tpu.memory_space<hbm>> -> memref<4096x128xf32, #tpu.memory_space<hbm>>
    %dma_wait3A_270 = arith.constant 0 : i32
    %dma_wait3A_271 = arith.constant 0 : i32
    %dma_wait3A_272 = tpu.memref_slice %dma_wait3A_269[%dma_wait3A_270, %dma_wait3A_271] : memref<4096x128xf32, #tpu.memory_space<hbm>> -> memref<4096x128xf32, #tpu.memory_space<hbm>>
    tpu.wait_indirect_dma semaphore(%arg20 : memref<!tpu.dma_semaphore, #tpu.memory_space<semaphore_mem>>) src(%dma_wait3A_272 : memref<4096x128xf32, #tpu.memory_space<hbm>>) dst(%arg15 : memref<128x128xf32, #tpu.memory_space<vmem>>)
    %add3A_273 = arith.constant 16384 : i32
    %add3A_274 = arith.addi %add3A_273, %mul3A_2 : i32
    %dma_start3A_275 = arith.constant 0 : i32
    %dma_start3A_276 = tpu.memref_slice %arg6[%add3A_274, %dma_start3A_275] : memref<131072x128xf32, #tpu.memory_space<hbm>> -> memref<128x128xf32, #tpu.memory_space<hbm>>
    %dma_start3A_277 = arith.constant 0 : i32
    %dma_start3A_278 = tpu.memref_slice %arg6[%add3A_274, %dma_start3A_277] : memref<131072x128xf32, #tpu.memory_space<hbm>> -> memref<128x128xf32, #tpu.memory_space<hbm>>
    tpu.enqueue_dma source(%arg15 : memref<128x128xf32, #tpu.memory_space<vmem>>) target(%dma_start3A_278 : memref<128x128xf32, #tpu.memory_space<hbm>>) target_semaphore(%arg25 : memref<!tpu.dma_semaphore, #tpu.memory_space<semaphore_mem>>)
    %add3A_279 = arith.constant 8192 : i32
    %add3A_280 = arith.addi %add3A_279, %mul3A_2 : i32
    %dma_wait3A_281 = arith.constant 0 : i32
    %dma_wait3A_282 = tpu.memref_slice %arg6[%add3A_280, %dma_wait3A_281] : memref<131072x128xf32, #tpu.memory_space<hbm>> -> memref<128x128xf32, #tpu.memory_space<hbm>>
    %dma_wait3A_283 = arith.constant 0 : i32
    %dma_wait3A_284 = tpu.memref_slice %arg6[%add3A_280, %dma_wait3A_283] : memref<131072x128xf32, #tpu.memory_space<hbm>> -> memref<128x128xf32, #tpu.memory_space<hbm>>
    tpu.wait_dma2 semaphore(%arg23 : memref<!tpu.dma_semaphore, #tpu.memory_space<semaphore_mem>>) src(%arg13 : memref<128x128xf32, #tpu.memory_space<vmem>>) dst(%dma_wait3A_284 : memref<128x128xf32, #tpu.memory_space<hbm>>)
    %dma_start3A_285 = arith.constant 28672 : i32
    %dma_start3A_286 = arith.constant 0 : i32
    %dma_start3A_287 = tpu.memref_slice %arg2[%dma_start3A_285, %dma_start3A_286] : memref<65536x128xf32, #tpu.memory_space<hbm>> -> memref<4096x128xf32, #tpu.memory_space<hbm>>
    %dma_start3A_288 = arith.constant 0 : i32
    %dma_start3A_289 = arith.constant 0 : i32
    %dma_start3A_290 = tpu.memref_slice %dma_start3A_287[%dma_start3A_288, %dma_start3A_289] : memref<4096x128xf32, #tpu.memory_space<hbm>> -> memref<4096x128xf32, #tpu.memory_space<hbm>>
    tpu.enqueue_indirect_dma source(%dma_start3A_290 : memref<4096x128xf32, #tpu.memory_space<hbm>>) target(%arg13 : memref<128x128xf32, #tpu.memory_space<vmem>>) offsets(%arg9 : memref<128xi32, #tpu.memory_space<vmem>>) semaphore(%arg18 : memref<!tpu.dma_semaphore, #tpu.memory_space<semaphore_mem>>)
    %dma_wait3A_291 = arith.constant 20480 : i32
    %dma_wait3A_292 = arith.constant 0 : i32
    %dma_wait3A_293 = tpu.memref_slice %arg2[%dma_wait3A_291, %dma_wait3A_292] : memref<65536x128xf32, #tpu.memory_space<hbm>> -> memref<4096x128xf32, #tpu.memory_space<hbm>>
    %dma_wait3A_294 = arith.constant 0 : i32
    %dma_wait3A_295 = arith.constant 0 : i32
    %dma_wait3A_296 = tpu.memref_slice %dma_wait3A_293[%dma_wait3A_294, %dma_wait3A_295] : memref<4096x128xf32, #tpu.memory_space<hbm>> -> memref<4096x128xf32, #tpu.memory_space<hbm>>
    tpu.wait_indirect_dma semaphore(%arg16 : memref<!tpu.dma_semaphore, #tpu.memory_space<semaphore_mem>>) src(%dma_wait3A_296 : memref<4096x128xf32, #tpu.memory_space<hbm>>) dst(%arg11 : memref<128x128xf32, #tpu.memory_space<vmem>>)
    %add3A_297 = arith.constant 20480 : i32
    %add3A_298 = arith.addi %add3A_297, %mul3A_2 : i32
    %dma_start3A_299 = arith.constant 0 : i32
    %dma_start3A_300 = tpu.memref_slice %arg6[%add3A_298, %dma_start3A_299] : memref<131072x128xf32, #tpu.memory_space<hbm>> -> memref<128x128xf32, #tpu.memory_space<hbm>>
    %dma_start3A_301 = arith.constant 0 : i32
    %dma_start3A_302 = tpu.memref_slice %arg6[%add3A_298, %dma_start3A_301] : memref<131072x128xf32, #tpu.memory_space<hbm>> -> memref<128x128xf32, #tpu.memory_space<hbm>>
    tpu.enqueue_dma source(%arg11 : memref<128x128xf32, #tpu.memory_space<vmem>>) target(%dma_start3A_302 : memref<128x128xf32, #tpu.memory_space<hbm>>) target_semaphore(%arg21 : memref<!tpu.dma_semaphore, #tpu.memory_space<semaphore_mem>>)
    %add3A_303 = arith.constant 12288 : i32
    %add3A_304 = arith.addi %add3A_303, %mul3A_2 : i32
    %dma_wait3A_305 = arith.constant 0 : i32
    %dma_wait3A_306 = tpu.memref_slice %arg6[%add3A_304, %dma_wait3A_305] : memref<131072x128xf32, #tpu.memory_space<hbm>> -> memref<128x128xf32, #tpu.memory_space<hbm>>
    %dma_wait3A_307 = arith.constant 0 : i32
    %dma_wait3A_308 = tpu.memref_slice %arg6[%add3A_304, %dma_wait3A_307] : memref<131072x128xf32, #tpu.memory_space<hbm>> -> memref<128x128xf32, #tpu.memory_space<hbm>>
    tpu.wait_dma2 semaphore(%arg24 : memref<!tpu.dma_semaphore, #tpu.memory_space<semaphore_mem>>) src(%arg14 : memref<128x128xf32, #tpu.memory_space<vmem>>) dst(%dma_wait3A_308 : memref<128x128xf32, #tpu.memory_space<hbm>>)
    %dma_start3A_309 = arith.constant 32768 : i32
    %dma_start3A_310 = arith.constant 0 : i32
    %dma_start3A_311 = tpu.memref_slice %arg2[%dma_start3A_309, %dma_start3A_310] : memref<65536x128xf32, #tpu.memory_space<hbm>> -> memref<4096x128xf32, #tpu.memory_space<hbm>>
    %dma_start3A_312 = arith.constant 0 : i32
    %dma_start3A_313 = arith.constant 0 : i32
    %dma_start3A_314 = tpu.memref_slice %dma_start3A_311[%dma_start3A_312, %dma_start3A_313] : memref<4096x128xf32, #tpu.memory_space<hbm>> -> memref<4096x128xf32, #tpu.memory_space<hbm>>
    tpu.enqueue_indirect_dma source(%dma_start3A_314 : memref<4096x128xf32, #tpu.memory_space<hbm>>) target(%arg14 : memref<128x128xf32, #tpu.memory_space<vmem>>) offsets(%arg9 : memref<128xi32, #tpu.memory_space<vmem>>) semaphore(%arg19 : memref<!tpu.dma_semaphore, #tpu.memory_space<semaphore_mem>>)
    %dma_wait3A_315 = arith.constant 24576 : i32
    %dma_wait3A_316 = arith.constant 0 : i32
    %dma_wait3A_317 = tpu.memref_slice %arg2[%dma_wait3A_315, %dma_wait3A_316] : memref<65536x128xf32, #tpu.memory_space<hbm>> -> memref<4096x128xf32, #tpu.memory_space<hbm>>
    %dma_wait3A_318 = arith.constant 0 : i32
    %dma_wait3A_319 = arith.constant 0 : i32
    %dma_wait3A_320 = tpu.memref_slice %dma_wait3A_317[%dma_wait3A_318, %dma_wait3A_319] : memref<4096x128xf32, #tpu.memory_space<hbm>> -> memref<4096x128xf32, #tpu.memory_space<hbm>>
    tpu.wait_indirect_dma semaphore(%arg17 : memref<!tpu.dma_semaphore, #tpu.memory_space<semaphore_mem>>) src(%dma_wait3A_320 : memref<4096x128xf32, #tpu.memory_space<hbm>>) dst(%arg12 : memref<128x128xf32, #tpu.memory_space<vmem>>)
    %add3A_321 = arith.constant 24576 : i32
    %add3A_322 = arith.addi %add3A_321, %mul3A_2 : i32
    %dma_start3A_323 = arith.constant 0 : i32
    %dma_start3A_324 = tpu.memref_slice %arg6[%add3A_322, %dma_start3A_323] : memref<131072x128xf32, #tpu.memory_space<hbm>> -> memref<128x128xf32, #tpu.memory_space<hbm>>
    %dma_start3A_325 = arith.constant 0 : i32
    %dma_start3A_326 = tpu.memref_slice %arg6[%add3A_322, %dma_start3A_325] : memref<131072x128xf32, #tpu.memory_space<hbm>> -> memref<128x128xf32, #tpu.memory_space<hbm>>
    tpu.enqueue_dma source(%arg12 : memref<128x128xf32, #tpu.memory_space<vmem>>) target(%dma_start3A_326 : memref<128x128xf32, #tpu.memory_space<hbm>>) target_semaphore(%arg22 : memref<!tpu.dma_semaphore, #tpu.memory_space<semaphore_mem>>)
    %add3A_327 = arith.constant 16384 : i32
    %add3A_328 = arith.addi %add3A_327, %mul3A_2 : i32
    %dma_wait3A_329 = arith.constant 0 : i32
    %dma_wait3A_330 = tpu.memref_slice %arg6[%add3A_328, %dma_wait3A_329] : memref<131072x128xf32, #tpu.memory_space<hbm>> -> memref<128x128xf32, #tpu.memory_space<hbm>>
    %dma_wait3A_331 = arith.constant 0 : i32
    %dma_wait3A_332 = tpu.memref_slice %arg6[%add3A_328, %dma_wait3A_331] : memref<131072x128xf32, #tpu.memory_space<hbm>> -> memref<128x128xf32, #tpu.memory_space<hbm>>
    tpu.wait_dma2 semaphore(%arg25 : memref<!tpu.dma_semaphore, #tpu.memory_space<semaphore_mem>>) src(%arg15 : memref<128x128xf32, #tpu.memory_space<vmem>>) dst(%dma_wait3A_332 : memref<128x128xf32, #tpu.memory_space<hbm>>)
    %dma_start3A_333 = arith.constant 36864 : i32
    %dma_start3A_334 = arith.constant 0 : i32
    %dma_start3A_335 = tpu.memref_slice %arg2[%dma_start3A_333, %dma_start3A_334] : memref<65536x128xf32, #tpu.memory_space<hbm>> -> memref<4096x128xf32, #tpu.memory_space<hbm>>
    %dma_start3A_336 = arith.constant 0 : i32
    %dma_start3A_337 = arith.constant 0 : i32
    %dma_start3A_338 = tpu.memref_slice %dma_start3A_335[%dma_start3A_336, %dma_start3A_337] : memref<4096x128xf32, #tpu.memory_space<hbm>> -> memref<4096x128xf32, #tpu.memory_space<hbm>>
    tpu.enqueue_indirect_dma source(%dma_start3A_338 : memref<4096x128xf32, #tpu.memory_space<hbm>>) target(%arg15 : memref<128x128xf32, #tpu.memory_space<vmem>>) offsets(%arg9 : memref<128xi32, #tpu.memory_space<vmem>>) semaphore(%arg20 : memref<!tpu.dma_semaphore, #tpu.memory_space<semaphore_mem>>)
    %dma_wait3A_339 = arith.constant 28672 : i32
    %dma_wait3A_340 = arith.constant 0 : i32
    %dma_wait3A_341 = tpu.memref_slice %arg2[%dma_wait3A_339, %dma_wait3A_340] : memref<65536x128xf32, #tpu.memory_space<hbm>> -> memref<4096x128xf32, #tpu.memory_space<hbm>>
    %dma_wait3A_342 = arith.constant 0 : i32
    %dma_wait3A_343 = arith.constant 0 : i32
    %dma_wait3A_344 = tpu.memref_slice %dma_wait3A_341[%dma_wait3A_342, %dma_wait3A_343] : memref<4096x128xf32, #tpu.memory_space<hbm>> -> memref<4096x128xf32, #tpu.memory_space<hbm>>
    tpu.wait_indirect_dma semaphore(%arg18 : memref<!tpu.dma_semaphore, #tpu.memory_space<semaphore_mem>>) src(%dma_wait3A_344 : memref<4096x128xf32, #tpu.memory_space<hbm>>) dst(%arg13 : memref<128x128xf32, #tpu.memory_space<vmem>>)
    %add3A_345 = arith.constant 28672 : i32
    %add3A_346 = arith.addi %add3A_345, %mul3A_2 : i32
    %dma_start3A_347 = arith.constant 0 : i32
    %dma_start3A_348 = tpu.memref_slice %arg6[%add3A_346, %dma_start3A_347] : memref<131072x128xf32, #tpu.memory_space<hbm>> -> memref<128x128xf32, #tpu.memory_space<hbm>>
    %dma_start3A_349 = arith.constant 0 : i32
    %dma_start3A_350 = tpu.memref_slice %arg6[%add3A_346, %dma_start3A_349] : memref<131072x128xf32, #tpu.memory_space<hbm>> -> memref<128x128xf32, #tpu.memory_space<hbm>>
    tpu.enqueue_dma source(%arg13 : memref<128x128xf32, #tpu.memory_space<vmem>>) target(%dma_start3A_350 : memref<128x128xf32, #tpu.memory_space<hbm>>) target_semaphore(%arg23 : memref<!tpu.dma_semaphore, #tpu.memory_space<semaphore_mem>>)
    %add3A_351 = arith.constant 20480 : i32
    %add3A_352 = arith.addi %add3A_351, %mul3A_2 : i32
    %dma_wait3A_353 = arith.constant 0 : i32
    %dma_wait3A_354 = tpu.memref_slice %arg6[%add3A_352, %dma_wait3A_353] : memref<131072x128xf32, #tpu.memory_space<hbm>> -> memref<128x128xf32, #tpu.memory_space<hbm>>
    %dma_wait3A_355 = arith.constant 0 : i32
    %dma_wait3A_356 = tpu.memref_slice %arg6[%add3A_352, %dma_wait3A_355] : memref<131072x128xf32, #tpu.memory_space<hbm>> -> memref<128x128xf32, #tpu.memory_space<hbm>>
    tpu.wait_dma2 semaphore(%arg21 : memref<!tpu.dma_semaphore, #tpu.memory_space<semaphore_mem>>) src(%arg11 : memref<128x128xf32, #tpu.memory_space<vmem>>) dst(%dma_wait3A_356 : memref<128x128xf32, #tpu.memory_space<hbm>>)
    %dma_start3A_357 = arith.constant 40960 : i32
    %dma_start3A_358 = arith.constant 0 : i32
    %dma_start3A_359 = tpu.memref_slice %arg2[%dma_start3A_357, %dma_start3A_358] : memref<65536x128xf32, #tpu.memory_space<hbm>> -> memref<4096x128xf32, #tpu.memory_space<hbm>>
    %dma_start3A_360 = arith.constant 0 : i32
    %dma_start3A_361 = arith.constant 0 : i32
    %dma_start3A_362 = tpu.memref_slice %dma_start3A_359[%dma_start3A_360, %dma_start3A_361] : memref<4096x128xf32, #tpu.memory_space<hbm>> -> memref<4096x128xf32, #tpu.memory_space<hbm>>
    tpu.enqueue_indirect_dma source(%dma_start3A_362 : memref<4096x128xf32, #tpu.memory_space<hbm>>) target(%arg11 : memref<128x128xf32, #tpu.memory_space<vmem>>) offsets(%arg9 : memref<128xi32, #tpu.memory_space<vmem>>) semaphore(%arg16 : memref<!tpu.dma_semaphore, #tpu.memory_space<semaphore_mem>>)
    %dma_wait3A_363 = arith.constant 32768 : i32
    %dma_wait3A_364 = arith.constant 0 : i32
    %dma_wait3A_365 = tpu.memref_slice %arg2[%dma_wait3A_363, %dma_wait3A_364] : memref<65536x128xf32, #tpu.memory_space<hbm>> -> memref<4096x128xf32, #tpu.memory_space<hbm>>
    %dma_wait3A_366 = arith.constant 0 : i32
    %dma_wait3A_367 = arith.constant 0 : i32
    %dma_wait3A_368 = tpu.memref_slice %dma_wait3A_365[%dma_wait3A_366, %dma_wait3A_367] : memref<4096x128xf32, #tpu.memory_space<hbm>> -> memref<4096x128xf32, #tpu.memory_space<hbm>>
    tpu.wait_indirect_dma semaphore(%arg19 : memref<!tpu.dma_semaphore, #tpu.memory_space<semaphore_mem>>) src(%dma_wait3A_368 : memref<4096x128xf32, #tpu.memory_space<hbm>>) dst(%arg14 : memref<128x128xf32, #tpu.memory_space<vmem>>)
    %add3A_369 = arith.constant 32768 : i32
    %add3A_370 = arith.addi %add3A_369, %mul3A_2 : i32
    %dma_start3A_371 = arith.constant 0 : i32
    %dma_start3A_372 = tpu.memref_slice %arg6[%add3A_370, %dma_start3A_371] : memref<131072x128xf32, #tpu.memory_space<hbm>> -> memref<128x128xf32, #tpu.memory_space<hbm>>
    %dma_start3A_373 = arith.constant 0 : i32
    %dma_start3A_374 = tpu.memref_slice %arg6[%add3A_370, %dma_start3A_373] : memref<131072x128xf32, #tpu.memory_space<hbm>> -> memref<128x128xf32, #tpu.memory_space<hbm>>
    tpu.enqueue_dma source(%arg14 : memref<128x128xf32, #tpu.memory_space<vmem>>) target(%dma_start3A_374 : memref<128x128xf32, #tpu.memory_space<hbm>>) target_semaphore(%arg24 : memref<!tpu.dma_semaphore, #tpu.memory_space<semaphore_mem>>)
    %add3A_375 = arith.constant 24576 : i32
    %add3A_376 = arith.addi %add3A_375, %mul3A_2 : i32
    %dma_wait3A_377 = arith.constant 0 : i32
    %dma_wait3A_378 = tpu.memref_slice %arg6[%add3A_376, %dma_wait3A_377] : memref<131072x128xf32, #tpu.memory_space<hbm>> -> memref<128x128xf32, #tpu.memory_space<hbm>>
    %dma_wait3A_379 = arith.constant 0 : i32
    %dma_wait3A_380 = tpu.memref_slice %arg6[%add3A_376, %dma_wait3A_379] : memref<131072x128xf32, #tpu.memory_space<hbm>> -> memref<128x128xf32, #tpu.memory_space<hbm>>
    tpu.wait_dma2 semaphore(%arg22 : memref<!tpu.dma_semaphore, #tpu.memory_space<semaphore_mem>>) src(%arg12 : memref<128x128xf32, #tpu.memory_space<vmem>>) dst(%dma_wait3A_380 : memref<128x128xf32, #tpu.memory_space<hbm>>)
    %dma_start3A_381 = arith.constant 45056 : i32
    %dma_start3A_382 = arith.constant 0 : i32
    %dma_start3A_383 = tpu.memref_slice %arg2[%dma_start3A_381, %dma_start3A_382] : memref<65536x128xf32, #tpu.memory_space<hbm>> -> memref<4096x128xf32, #tpu.memory_space<hbm>>
    %dma_start3A_384 = arith.constant 0 : i32
    %dma_start3A_385 = arith.constant 0 : i32
    %dma_start3A_386 = tpu.memref_slice %dma_start3A_383[%dma_start3A_384, %dma_start3A_385] : memref<4096x128xf32, #tpu.memory_space<hbm>> -> memref<4096x128xf32, #tpu.memory_space<hbm>>
    tpu.enqueue_indirect_dma source(%dma_start3A_386 : memref<4096x128xf32, #tpu.memory_space<hbm>>) target(%arg12 : memref<128x128xf32, #tpu.memory_space<vmem>>) offsets(%arg9 : memref<128xi32, #tpu.memory_space<vmem>>) semaphore(%arg17 : memref<!tpu.dma_semaphore, #tpu.memory_space<semaphore_mem>>)
    %dma_wait3A_387 = arith.constant 36864 : i32
    %dma_wait3A_388 = arith.constant 0 : i32
    %dma_wait3A_389 = tpu.memref_slice %arg2[%dma_wait3A_387, %dma_wait3A_388] : memref<65536x128xf32, #tpu.memory_space<hbm>> -> memref<4096x128xf32, #tpu.memory_space<hbm>>
    %dma_wait3A_390 = arith.constant 0 : i32
    %dma_wait3A_391 = arith.constant 0 : i32
    %dma_wait3A_392 = tpu.memref_slice %dma_wait3A_389[%dma_wait3A_390, %dma_wait3A_391] : memref<4096x128xf32, #tpu.memory_space<hbm>> -> memref<4096x128xf32, #tpu.memory_space<hbm>>
    tpu.wait_indirect_dma semaphore(%arg20 : memref<!tpu.dma_semaphore, #tpu.memory_space<semaphore_mem>>) src(%dma_wait3A_392 : memref<4096x128xf32, #tpu.memory_space<hbm>>) dst(%arg15 : memref<128x128xf32, #tpu.memory_space<vmem>>)
    %add3A_393 = arith.constant 36864 : i32
    %add3A_394 = arith.addi %add3A_393, %mul3A_2 : i32
    %dma_start3A_395 = arith.constant 0 : i32
    %dma_start3A_396 = tpu.memref_slice %arg6[%add3A_394, %dma_start3A_395] : memref<131072x128xf32, #tpu.memory_space<hbm>> -> memref<128x128xf32, #tpu.memory_space<hbm>>
    %dma_start3A_397 = arith.constant 0 : i32
    %dma_start3A_398 = tpu.memref_slice %arg6[%add3A_394, %dma_start3A_397] : memref<131072x128xf32, #tpu.memory_space<hbm>> -> memref<128x128xf32, #tpu.memory_space<hbm>>
    tpu.enqueue_dma source(%arg15 : memref<128x128xf32, #tpu.memory_space<vmem>>) target(%dma_start3A_398 : memref<128x128xf32, #tpu.memory_space<hbm>>) target_semaphore(%arg25 : memref<!tpu.dma_semaphore, #tpu.memory_space<semaphore_mem>>)
    %add3A_399 = arith.constant 28672 : i32
    %add3A_400 = arith.addi %add3A_399, %mul3A_2 : i32
    %dma_wait3A_401 = arith.constant 0 : i32
    %dma_wait3A_402 = tpu.memref_slice %arg6[%add3A_400, %dma_wait3A_401] : memref<131072x128xf32, #tpu.memory_space<hbm>> -> memref<128x128xf32, #tpu.memory_space<hbm>>
    %dma_wait3A_403 = arith.constant 0 : i32
    %dma_wait3A_404 = tpu.memref_slice %arg6[%add3A_400, %dma_wait3A_403] : memref<131072x128xf32, #tpu.memory_space<hbm>> -> memref<128x128xf32, #tpu.memory_space<hbm>>
    tpu.wait_dma2 semaphore(%arg23 : memref<!tpu.dma_semaphore, #tpu.memory_space<semaphore_mem>>) src(%arg13 : memref<128x128xf32, #tpu.memory_space<vmem>>) dst(%dma_wait3A_404 : memref<128x128xf32, #tpu.memory_space<hbm>>)
    %dma_start3A_405 = arith.constant 49152 : i32
    %dma_start3A_406 = arith.constant 0 : i32
    %dma_start3A_407 = tpu.memref_slice %arg2[%dma_start3A_405, %dma_start3A_406] : memref<65536x128xf32, #tpu.memory_space<hbm>> -> memref<4096x128xf32, #tpu.memory_space<hbm>>
    %dma_start3A_408 = arith.constant 0 : i32
    %dma_start3A_409 = arith.constant 0 : i32
    %dma_start3A_410 = tpu.memref_slice %dma_start3A_407[%dma_start3A_408, %dma_start3A_409] : memref<4096x128xf32, #tpu.memory_space<hbm>> -> memref<4096x128xf32, #tpu.memory_space<hbm>>
    tpu.enqueue_indirect_dma source(%dma_start3A_410 : memref<4096x128xf32, #tpu.memory_space<hbm>>) target(%arg13 : memref<128x128xf32, #tpu.memory_space<vmem>>) offsets(%arg9 : memref<128xi32, #tpu.memory_space<vmem>>) semaphore(%arg18 : memref<!tpu.dma_semaphore, #tpu.memory_space<semaphore_mem>>)
    %dma_wait3A_411 = arith.constant 40960 : i32
    %dma_wait3A_412 = arith.constant 0 : i32
    %dma_wait3A_413 = tpu.memref_slice %arg2[%dma_wait3A_411, %dma_wait3A_412] : memref<65536x128xf32, #tpu.memory_space<hbm>> -> memref<4096x128xf32, #tpu.memory_space<hbm>>
    %dma_wait3A_414 = arith.constant 0 : i32
    %dma_wait3A_415 = arith.constant 0 : i32
    %dma_wait3A_416 = tpu.memref_slice %dma_wait3A_413[%dma_wait3A_414, %dma_wait3A_415] : memref<4096x128xf32, #tpu.memory_space<hbm>> -> memref<4096x128xf32, #tpu.memory_space<hbm>>
    tpu.wait_indirect_dma semaphore(%arg16 : memref<!tpu.dma_semaphore, #tpu.memory_space<semaphore_mem>>) src(%dma_wait3A_416 : memref<4096x128xf32, #tpu.memory_space<hbm>>) dst(%arg11 : memref<128x128xf32, #tpu.memory_space<vmem>>)
    %add3A_417 = arith.constant 40960 : i32
    %add3A_418 = arith.addi %add3A_417, %mul3A_2 : i32
    %dma_start3A_419 = arith.constant 0 : i32
    %dma_start3A_420 = tpu.memref_slice %arg6[%add3A_418, %dma_start3A_419] : memref<131072x128xf32, #tpu.memory_space<hbm>> -> memref<128x128xf32, #tpu.memory_space<hbm>>
    %dma_start3A_421 = arith.constant 0 : i32
    %dma_start3A_422 = tpu.memref_slice %arg6[%add3A_418, %dma_start3A_421] : memref<131072x128xf32, #tpu.memory_space<hbm>> -> memref<128x128xf32, #tpu.memory_space<hbm>>
    tpu.enqueue_dma source(%arg11 : memref<128x128xf32, #tpu.memory_space<vmem>>) target(%dma_start3A_422 : memref<128x128xf32, #tpu.memory_space<hbm>>) target_semaphore(%arg21 : memref<!tpu.dma_semaphore, #tpu.memory_space<semaphore_mem>>)
    %add3A_423 = arith.constant 32768 : i32
    %add3A_424 = arith.addi %add3A_423, %mul3A_2 : i32
    %dma_wait3A_425 = arith.constant 0 : i32
    %dma_wait3A_426 = tpu.memref_slice %arg6[%add3A_424, %dma_wait3A_425] : memref<131072x128xf32, #tpu.memory_space<hbm>> -> memref<128x128xf32, #tpu.memory_space<hbm>>
    %dma_wait3A_427 = arith.constant 0 : i32
    %dma_wait3A_428 = tpu.memref_slice %arg6[%add3A_424, %dma_wait3A_427] : memref<131072x128xf32, #tpu.memory_space<hbm>> -> memref<128x128xf32, #tpu.memory_space<hbm>>
    tpu.wait_dma2 semaphore(%arg24 : memref<!tpu.dma_semaphore, #tpu.memory_space<semaphore_mem>>) src(%arg14 : memref<128x128xf32, #tpu.memory_space<vmem>>) dst(%dma_wait3A_428 : memref<128x128xf32, #tpu.memory_space<hbm>>)
    %dma_start3A_429 = arith.constant 53248 : i32
    %dma_start3A_430 = arith.constant 0 : i32
    %dma_start3A_431 = tpu.memref_slice %arg2[%dma_start3A_429, %dma_start3A_430] : memref<65536x128xf32, #tpu.memory_space<hbm>> -> memref<4096x128xf32, #tpu.memory_space<hbm>>
    %dma_start3A_432 = arith.constant 0 : i32
    %dma_start3A_433 = arith.constant 0 : i32
    %dma_start3A_434 = tpu.memref_slice %dma_start3A_431[%dma_start3A_432, %dma_start3A_433] : memref<4096x128xf32, #tpu.memory_space<hbm>> -> memref<4096x128xf32, #tpu.memory_space<hbm>>
    tpu.enqueue_indirect_dma source(%dma_start3A_434 : memref<4096x128xf32, #tpu.memory_space<hbm>>) target(%arg14 : memref<128x128xf32, #tpu.memory_space<vmem>>) offsets(%arg9 : memref<128xi32, #tpu.memory_space<vmem>>) semaphore(%arg19 : memref<!tpu.dma_semaphore, #tpu.memory_space<semaphore_mem>>)
    %dma_wait3A_435 = arith.constant 45056 : i32
    %dma_wait3A_436 = arith.constant 0 : i32
    %dma_wait3A_437 = tpu.memref_slice %arg2[%dma_wait3A_435, %dma_wait3A_436] : memref<65536x128xf32, #tpu.memory_space<hbm>> -> memref<4096x128xf32, #tpu.memory_space<hbm>>
    %dma_wait3A_438 = arith.constant 0 : i32
    %dma_wait3A_439 = arith.constant 0 : i32
    %dma_wait3A_440 = tpu.memref_slice %dma_wait3A_437[%dma_wait3A_438, %dma_wait3A_439] : memref<4096x128xf32, #tpu.memory_space<hbm>> -> memref<4096x128xf32, #tpu.memory_space<hbm>>
    tpu.wait_indirect_dma semaphore(%arg17 : memref<!tpu.dma_semaphore, #tpu.memory_space<semaphore_mem>>) src(%dma_wait3A_440 : memref<4096x128xf32, #tpu.memory_space<hbm>>) dst(%arg12 : memref<128x128xf32, #tpu.memory_space<vmem>>)
    %add3A_441 = arith.constant 45056 : i32
    %add3A_442 = arith.addi %add3A_441, %mul3A_2 : i32
    %dma_start3A_443 = arith.constant 0 : i32
    %dma_start3A_444 = tpu.memref_slice %arg6[%add3A_442, %dma_start3A_443] : memref<131072x128xf32, #tpu.memory_space<hbm>> -> memref<128x128xf32, #tpu.memory_space<hbm>>
    %dma_start3A_445 = arith.constant 0 : i32
    %dma_start3A_446 = tpu.memref_slice %arg6[%add3A_442, %dma_start3A_445] : memref<131072x128xf32, #tpu.memory_space<hbm>> -> memref<128x128xf32, #tpu.memory_space<hbm>>
    tpu.enqueue_dma source(%arg12 : memref<128x128xf32, #tpu.memory_space<vmem>>) target(%dma_start3A_446 : memref<128x128xf32, #tpu.memory_space<hbm>>) target_semaphore(%arg22 : memref<!tpu.dma_semaphore, #tpu.memory_space<semaphore_mem>>)
    %add3A_447 = arith.constant 36864 : i32
    %add3A_448 = arith.addi %add3A_447, %mul3A_2 : i32
    %dma_wait3A_449 = arith.constant 0 : i32
    %dma_wait3A_450 = tpu.memref_slice %arg6[%add3A_448, %dma_wait3A_449] : memref<131072x128xf32, #tpu.memory_space<hbm>> -> memref<128x128xf32, #tpu.memory_space<hbm>>
    %dma_wait3A_451 = arith.constant 0 : i32
    %dma_wait3A_452 = tpu.memref_slice %arg6[%add3A_448, %dma_wait3A_451] : memref<131072x128xf32, #tpu.memory_space<hbm>> -> memref<128x128xf32, #tpu.memory_space<hbm>>
    tpu.wait_dma2 semaphore(%arg25 : memref<!tpu.dma_semaphore, #tpu.memory_space<semaphore_mem>>) src(%arg15 : memref<128x128xf32, #tpu.memory_space<vmem>>) dst(%dma_wait3A_452 : memref<128x128xf32, #tpu.memory_space<hbm>>)
    %dma_start3A_453 = arith.constant 57344 : i32
    %dma_start3A_454 = arith.constant 0 : i32
    %dma_start3A_455 = tpu.memref_slice %arg2[%dma_start3A_453, %dma_start3A_454] : memref<65536x128xf32, #tpu.memory_space<hbm>> -> memref<4096x128xf32, #tpu.memory_space<hbm>>
    %dma_start3A_456 = arith.constant 0 : i32
    %dma_start3A_457 = arith.constant 0 : i32
    %dma_start3A_458 = tpu.memref_slice %dma_start3A_455[%dma_start3A_456, %dma_start3A_457] : memref<4096x128xf32, #tpu.memory_space<hbm>> -> memref<4096x128xf32, #tpu.memory_space<hbm>>
    tpu.enqueue_indirect_dma source(%dma_start3A_458 : memref<4096x128xf32, #tpu.memory_space<hbm>>) target(%arg15 : memref<128x128xf32, #tpu.memory_space<vmem>>) offsets(%arg9 : memref<128xi32, #tpu.memory_space<vmem>>) semaphore(%arg20 : memref<!tpu.dma_semaphore, #tpu.memory_space<semaphore_mem>>)
    %dma_wait3A_459 = arith.constant 49152 : i32
    %dma_wait3A_460 = arith.constant 0 : i32
    %dma_wait3A_461 = tpu.memref_slice %arg2[%dma_wait3A_459, %dma_wait3A_460] : memref<65536x128xf32, #tpu.memory_space<hbm>> -> memref<4096x128xf32, #tpu.memory_space<hbm>>
    %dma_wait3A_462 = arith.constant 0 : i32
    %dma_wait3A_463 = arith.constant 0 : i32
    %dma_wait3A_464 = tpu.memref_slice %dma_wait3A_461[%dma_wait3A_462, %dma_wait3A_463] : memref<4096x128xf32, #tpu.memory_space<hbm>> -> memref<4096x128xf32, #tpu.memory_space<hbm>>
    tpu.wait_indirect_dma semaphore(%arg18 : memref<!tpu.dma_semaphore, #tpu.memory_space<semaphore_mem>>) src(%dma_wait3A_464 : memref<4096x128xf32, #tpu.memory_space<hbm>>) dst(%arg13 : memref<128x128xf32, #tpu.memory_space<vmem>>)
    %add3A_465 = arith.constant 49152 : i32
    %add3A_466 = arith.addi %add3A_465, %mul3A_2 : i32
    %dma_start3A_467 = arith.constant 0 : i32
    %dma_start3A_468 = tpu.memref_slice %arg6[%add3A_466, %dma_start3A_467] : memref<131072x128xf32, #tpu.memory_space<hbm>> -> memref<128x128xf32, #tpu.memory_space<hbm>>
    %dma_start3A_469 = arith.constant 0 : i32
    %dma_start3A_470 = tpu.memref_slice %arg6[%add3A_466, %dma_start3A_469] : memref<131072x128xf32, #tpu.memory_space<hbm>> -> memref<128x128xf32, #tpu.memory_space<hbm>>
    tpu.enqueue_dma source(%arg13 : memref<128x128xf32, #tpu.memory_space<vmem>>) target(%dma_start3A_470 : memref<128x128xf32, #tpu.memory_space<hbm>>) target_semaphore(%arg23 : memref<!tpu.dma_semaphore, #tpu.memory_space<semaphore_mem>>)
    %add3A_471 = arith.constant 40960 : i32
    %add3A_472 = arith.addi %add3A_471, %mul3A_2 : i32
    %dma_wait3A_473 = arith.constant 0 : i32
    %dma_wait3A_474 = tpu.memref_slice %arg6[%add3A_472, %dma_wait3A_473] : memref<131072x128xf32, #tpu.memory_space<hbm>> -> memref<128x128xf32, #tpu.memory_space<hbm>>
    %dma_wait3A_475 = arith.constant 0 : i32
    %dma_wait3A_476 = tpu.memref_slice %arg6[%add3A_472, %dma_wait3A_475] : memref<131072x128xf32, #tpu.memory_space<hbm>> -> memref<128x128xf32, #tpu.memory_space<hbm>>
    tpu.wait_dma2 semaphore(%arg21 : memref<!tpu.dma_semaphore, #tpu.memory_space<semaphore_mem>>) src(%arg11 : memref<128x128xf32, #tpu.memory_space<vmem>>) dst(%dma_wait3A_476 : memref<128x128xf32, #tpu.memory_space<hbm>>)
    %dma_start3A_477 = arith.constant 61440 : i32
    %dma_start3A_478 = arith.constant 0 : i32
    %dma_start3A_479 = tpu.memref_slice %arg2[%dma_start3A_477, %dma_start3A_478] : memref<65536x128xf32, #tpu.memory_space<hbm>> -> memref<4096x128xf32, #tpu.memory_space<hbm>>
    %dma_start3A_480 = arith.constant 0 : i32
    %dma_start3A_481 = arith.constant 0 : i32
    %dma_start3A_482 = tpu.memref_slice %dma_start3A_479[%dma_start3A_480, %dma_start3A_481] : memref<4096x128xf32, #tpu.memory_space<hbm>> -> memref<4096x128xf32, #tpu.memory_space<hbm>>
    tpu.enqueue_indirect_dma source(%dma_start3A_482 : memref<4096x128xf32, #tpu.memory_space<hbm>>) target(%arg11 : memref<128x128xf32, #tpu.memory_space<vmem>>) offsets(%arg9 : memref<128xi32, #tpu.memory_space<vmem>>) semaphore(%arg16 : memref<!tpu.dma_semaphore, #tpu.memory_space<semaphore_mem>>)
    %dma_wait3A_483 = arith.constant 53248 : i32
    %dma_wait3A_484 = arith.constant 0 : i32
    %dma_wait3A_485 = tpu.memref_slice %arg2[%dma_wait3A_483, %dma_wait3A_484] : memref<65536x128xf32, #tpu.memory_space<hbm>> -> memref<4096x128xf32, #tpu.memory_space<hbm>>
    %dma_wait3A_486 = arith.constant 0 : i32
    %dma_wait3A_487 = arith.constant 0 : i32
    %dma_wait3A_488 = tpu.memref_slice %dma_wait3A_485[%dma_wait3A_486, %dma_wait3A_487] : memref<4096x128xf32, #tpu.memory_space<hbm>> -> memref<4096x128xf32, #tpu.memory_space<hbm>>
    tpu.wait_indirect_dma semaphore(%arg19 : memref<!tpu.dma_semaphore, #tpu.memory_space<semaphore_mem>>) src(%dma_wait3A_488 : memref<4096x128xf32, #tpu.memory_space<hbm>>) dst(%arg14 : memref<128x128xf32, #tpu.memory_space<vmem>>)
    %add3A_489 = arith.constant 53248 : i32
    %add3A_490 = arith.addi %add3A_489, %mul3A_2 : i32
    %dma_start3A_491 = arith.constant 0 : i32
    %dma_start3A_492 = tpu.memref_slice %arg6[%add3A_490, %dma_start3A_491] : memref<131072x128xf32, #tpu.memory_space<hbm>> -> memref<128x128xf32, #tpu.memory_space<hbm>>
    %dma_start3A_493 = arith.constant 0 : i32
    %dma_start3A_494 = tpu.memref_slice %arg6[%add3A_490, %dma_start3A_493] : memref<131072x128xf32, #tpu.memory_space<hbm>> -> memref<128x128xf32, #tpu.memory_space<hbm>>
    tpu.enqueue_dma source(%arg14 : memref<128x128xf32, #tpu.memory_space<vmem>>) target(%dma_start3A_494 : memref<128x128xf32, #tpu.memory_space<hbm>>) target_semaphore(%arg24 : memref<!tpu.dma_semaphore, #tpu.memory_space<semaphore_mem>>)
    %add3A_495 = arith.constant 45056 : i32
    %add3A_496 = arith.addi %add3A_495, %mul3A_2 : i32
    %dma_wait3A_497 = arith.constant 0 : i32
    %dma_wait3A_498 = tpu.memref_slice %arg6[%add3A_496, %dma_wait3A_497] : memref<131072x128xf32, #tpu.memory_space<hbm>> -> memref<128x128xf32, #tpu.memory_space<hbm>>
    %dma_wait3A_499 = arith.constant 0 : i32
    %dma_wait3A_500 = tpu.memref_slice %arg6[%add3A_496, %dma_wait3A_499] : memref<131072x128xf32, #tpu.memory_space<hbm>> -> memref<128x128xf32, #tpu.memory_space<hbm>>
    tpu.wait_dma2 semaphore(%arg22 : memref<!tpu.dma_semaphore, #tpu.memory_space<semaphore_mem>>) src(%arg12 : memref<128x128xf32, #tpu.memory_space<vmem>>) dst(%dma_wait3A_500 : memref<128x128xf32, #tpu.memory_space<hbm>>)
    %dma_start3A_501 = arith.constant 0 : i32
    %dma_start3A_502 = arith.constant 0 : i32
    %dma_start3A_503 = tpu.memref_slice %arg3[%dma_start3A_501, %dma_start3A_502] : memref<65536x128xf32, #tpu.memory_space<hbm>> -> memref<4096x128xf32, #tpu.memory_space<hbm>>
    %dma_start3A_504 = arith.constant 0 : i32
    %dma_start3A_505 = arith.constant 0 : i32
    %dma_start3A_506 = tpu.memref_slice %dma_start3A_503[%dma_start3A_504, %dma_start3A_505] : memref<4096x128xf32, #tpu.memory_space<hbm>> -> memref<4096x128xf32, #tpu.memory_space<hbm>>
    tpu.enqueue_indirect_dma source(%dma_start3A_506 : memref<4096x128xf32, #tpu.memory_space<hbm>>) target(%arg12 : memref<128x128xf32, #tpu.memory_space<vmem>>) offsets(%arg9 : memref<128xi32, #tpu.memory_space<vmem>>) semaphore(%arg17 : memref<!tpu.dma_semaphore, #tpu.memory_space<semaphore_mem>>)
    %dma_wait3A_507 = arith.constant 57344 : i32
    %dma_wait3A_508 = arith.constant 0 : i32
    %dma_wait3A_509 = tpu.memref_slice %arg2[%dma_wait3A_507, %dma_wait3A_508] : memref<65536x128xf32, #tpu.memory_space<hbm>> -> memref<4096x128xf32, #tpu.memory_space<hbm>>
    %dma_wait3A_510 = arith.constant 0 : i32
    %dma_wait3A_511 = arith.constant 0 : i32
    %dma_wait3A_512 = tpu.memref_slice %dma_wait3A_509[%dma_wait3A_510, %dma_wait3A_511] : memref<4096x128xf32, #tpu.memory_space<hbm>> -> memref<4096x128xf32, #tpu.memory_space<hbm>>
    tpu.wait_indirect_dma semaphore(%arg20 : memref<!tpu.dma_semaphore, #tpu.memory_space<semaphore_mem>>) src(%dma_wait3A_512 : memref<4096x128xf32, #tpu.memory_space<hbm>>) dst(%arg15 : memref<128x128xf32, #tpu.memory_space<vmem>>)
    %add3A_513 = arith.constant 57344 : i32
    %add3A_514 = arith.addi %add3A_513, %mul3A_2 : i32
    %dma_start3A_515 = arith.constant 0 : i32
    %dma_start3A_516 = tpu.memref_slice %arg6[%add3A_514, %dma_start3A_515] : memref<131072x128xf32, #tpu.memory_space<hbm>> -> memref<128x128xf32, #tpu.memory_space<hbm>>
    %dma_start3A_517 = arith.constant 0 : i32
    %dma_start3A_518 = tpu.memref_slice %arg6[%add3A_514, %dma_start3A_517] : memref<131072x128xf32, #tpu.memory_space<hbm>> -> memref<128x128xf32, #tpu.memory_space<hbm>>
    tpu.enqueue_dma source(%arg15 : memref<128x128xf32, #tpu.memory_space<vmem>>) target(%dma_start3A_518 : memref<128x128xf32, #tpu.memory_space<hbm>>) target_semaphore(%arg25 : memref<!tpu.dma_semaphore, #tpu.memory_space<semaphore_mem>>)
    %add3A_519 = arith.constant 49152 : i32
    %add3A_520 = arith.addi %add3A_519, %mul3A_2 : i32
    %dma_wait3A_521 = arith.constant 0 : i32
    %dma_wait3A_522 = tpu.memref_slice %arg6[%add3A_520, %dma_wait3A_521] : memref<131072x128xf32, #tpu.memory_space<hbm>> -> memref<128x128xf32, #tpu.memory_space<hbm>>
    %dma_wait3A_523 = arith.constant 0 : i32
    %dma_wait3A_524 = tpu.memref_slice %arg6[%add3A_520, %dma_wait3A_523] : memref<131072x128xf32, #tpu.memory_space<hbm>> -> memref<128x128xf32, #tpu.memory_space<hbm>>
    tpu.wait_dma2 semaphore(%arg23 : memref<!tpu.dma_semaphore, #tpu.memory_space<semaphore_mem>>) src(%arg13 : memref<128x128xf32, #tpu.memory_space<vmem>>) dst(%dma_wait3A_524 : memref<128x128xf32, #tpu.memory_space<hbm>>)
    %dma_start3A_525 = arith.constant 4096 : i32
    %dma_start3A_526 = arith.constant 0 : i32
    %dma_start3A_527 = tpu.memref_slice %arg3[%dma_start3A_525, %dma_start3A_526] : memref<65536x128xf32, #tpu.memory_space<hbm>> -> memref<4096x128xf32, #tpu.memory_space<hbm>>
    %dma_start3A_528 = arith.constant 0 : i32
    %dma_start3A_529 = arith.constant 0 : i32
    %dma_start3A_530 = tpu.memref_slice %dma_start3A_527[%dma_start3A_528, %dma_start3A_529] : memref<4096x128xf32, #tpu.memory_space<hbm>> -> memref<4096x128xf32, #tpu.memory_space<hbm>>
    tpu.enqueue_indirect_dma source(%dma_start3A_530 : memref<4096x128xf32, #tpu.memory_space<hbm>>) target(%arg13 : memref<128x128xf32, #tpu.memory_space<vmem>>) offsets(%arg9 : memref<128xi32, #tpu.memory_space<vmem>>) semaphore(%arg18 : memref<!tpu.dma_semaphore, #tpu.memory_space<semaphore_mem>>)
    %dma_wait3A_531 = arith.constant 61440 : i32
    %dma_wait3A_532 = arith.constant 0 : i32
    %dma_wait3A_533 = tpu.memref_slice %arg2[%dma_wait3A_531, %dma_wait3A_532] : memref<65536x128xf32, #tpu.memory_space<hbm>> -> memref<4096x128xf32, #tpu.memory_space<hbm>>
    %dma_wait3A_534 = arith.constant 0 : i32
    %dma_wait3A_535 = arith.constant 0 : i32
    %dma_wait3A_536 = tpu.memref_slice %dma_wait3A_533[%dma_wait3A_534, %dma_wait3A_535] : memref<4096x128xf32, #tpu.memory_space<hbm>> -> memref<4096x128xf32, #tpu.memory_space<hbm>>
    tpu.wait_indirect_dma semaphore(%arg16 : memref<!tpu.dma_semaphore, #tpu.memory_space<semaphore_mem>>) src(%dma_wait3A_536 : memref<4096x128xf32, #tpu.memory_space<hbm>>) dst(%arg11 : memref<128x128xf32, #tpu.memory_space<vmem>>)
    %add3A_537 = arith.constant 61440 : i32
    %add3A_538 = arith.addi %add3A_537, %mul3A_2 : i32
    %dma_start3A_539 = arith.constant 0 : i32
    %dma_start3A_540 = tpu.memref_slice %arg6[%add3A_538, %dma_start3A_539] : memref<131072x128xf32, #tpu.memory_space<hbm>> -> memref<128x128xf32, #tpu.memory_space<hbm>>
    %dma_start3A_541 = arith.constant 0 : i32
    %dma_start3A_542 = tpu.memref_slice %arg6[%add3A_538, %dma_start3A_541] : memref<131072x128xf32, #tpu.memory_space<hbm>> -> memref<128x128xf32, #tpu.memory_space<hbm>>
    tpu.enqueue_dma source(%arg11 : memref<128x128xf32, #tpu.memory_space<vmem>>) target(%dma_start3A_542 : memref<128x128xf32, #tpu.memory_space<hbm>>) target_semaphore(%arg21 : memref<!tpu.dma_semaphore, #tpu.memory_space<semaphore_mem>>)
    %add3A_543 = arith.constant 53248 : i32
    %add3A_544 = arith.addi %add3A_543, %mul3A_2 : i32
    %dma_wait3A_545 = arith.constant 0 : i32
    %dma_wait3A_546 = tpu.memref_slice %arg6[%add3A_544, %dma_wait3A_545] : memref<131072x128xf32, #tpu.memory_space<hbm>> -> memref<128x128xf32, #tpu.memory_space<hbm>>
    %dma_wait3A_547 = arith.constant 0 : i32
    %dma_wait3A_548 = tpu.memref_slice %arg6[%add3A_544, %dma_wait3A_547] : memref<131072x128xf32, #tpu.memory_space<hbm>> -> memref<128x128xf32, #tpu.memory_space<hbm>>
    tpu.wait_dma2 semaphore(%arg24 : memref<!tpu.dma_semaphore, #tpu.memory_space<semaphore_mem>>) src(%arg14 : memref<128x128xf32, #tpu.memory_space<vmem>>) dst(%dma_wait3A_548 : memref<128x128xf32, #tpu.memory_space<hbm>>)
    %dma_start3A_549 = arith.constant 8192 : i32
    %dma_start3A_550 = arith.constant 0 : i32
    %dma_start3A_551 = tpu.memref_slice %arg3[%dma_start3A_549, %dma_start3A_550] : memref<65536x128xf32, #tpu.memory_space<hbm>> -> memref<4096x128xf32, #tpu.memory_space<hbm>>
    %dma_start3A_552 = arith.constant 0 : i32
    %dma_start3A_553 = arith.constant 0 : i32
    %dma_start3A_554 = tpu.memref_slice %dma_start3A_551[%dma_start3A_552, %dma_start3A_553] : memref<4096x128xf32, #tpu.memory_space<hbm>> -> memref<4096x128xf32, #tpu.memory_space<hbm>>
    tpu.enqueue_indirect_dma source(%dma_start3A_554 : memref<4096x128xf32, #tpu.memory_space<hbm>>) target(%arg14 : memref<128x128xf32, #tpu.memory_space<vmem>>) offsets(%arg9 : memref<128xi32, #tpu.memory_space<vmem>>) semaphore(%arg19 : memref<!tpu.dma_semaphore, #tpu.memory_space<semaphore_mem>>)
    %dma_wait3A_555 = arith.constant 0 : i32
    %dma_wait3A_556 = arith.constant 0 : i32
    %dma_wait3A_557 = tpu.memref_slice %arg3[%dma_wait3A_555, %dma_wait3A_556] : memref<65536x128xf32, #tpu.memory_space<hbm>> -> memref<4096x128xf32, #tpu.memory_space<hbm>>
    %dma_wait3A_558 = arith.constant 0 : i32
    %dma_wait3A_559 = arith.constant 0 : i32
    %dma_wait3A_560 = tpu.memref_slice %dma_wait3A_557[%dma_wait3A_558, %dma_wait3A_559] : memref<4096x128xf32, #tpu.memory_space<hbm>> -> memref<4096x128xf32, #tpu.memory_space<hbm>>
    tpu.wait_indirect_dma semaphore(%arg17 : memref<!tpu.dma_semaphore, #tpu.memory_space<semaphore_mem>>) src(%dma_wait3A_560 : memref<4096x128xf32, #tpu.memory_space<hbm>>) dst(%arg12 : memref<128x128xf32, #tpu.memory_space<vmem>>)
    %add3A_561 = arith.constant 65536 : i32
    %add3A_562 = arith.addi %add3A_561, %mul3A_2 : i32
    %dma_start3A_563 = arith.constant 0 : i32
    %dma_start3A_564 = tpu.memref_slice %arg6[%add3A_562, %dma_start3A_563] : memref<131072x128xf32, #tpu.memory_space<hbm>> -> memref<128x128xf32, #tpu.memory_space<hbm>>
    %dma_start3A_565 = arith.constant 0 : i32
    %dma_start3A_566 = tpu.memref_slice %arg6[%add3A_562, %dma_start3A_565] : memref<131072x128xf32, #tpu.memory_space<hbm>> -> memref<128x128xf32, #tpu.memory_space<hbm>>
    tpu.enqueue_dma source(%arg12 : memref<128x128xf32, #tpu.memory_space<vmem>>) target(%dma_start3A_566 : memref<128x128xf32, #tpu.memory_space<hbm>>) target_semaphore(%arg22 : memref<!tpu.dma_semaphore, #tpu.memory_space<semaphore_mem>>)
    %add3A_567 = arith.constant 57344 : i32
    %add3A_568 = arith.addi %add3A_567, %mul3A_2 : i32
    %dma_wait3A_569 = arith.constant 0 : i32
    %dma_wait3A_570 = tpu.memref_slice %arg6[%add3A_568, %dma_wait3A_569] : memref<131072x128xf32, #tpu.memory_space<hbm>> -> memref<128x128xf32, #tpu.memory_space<hbm>>
    %dma_wait3A_571 = arith.constant 0 : i32
    %dma_wait3A_572 = tpu.memref_slice %arg6[%add3A_568, %dma_wait3A_571] : memref<131072x128xf32, #tpu.memory_space<hbm>> -> memref<128x128xf32, #tpu.memory_space<hbm>>
    tpu.wait_dma2 semaphore(%arg25 : memref<!tpu.dma_semaphore, #tpu.memory_space<semaphore_mem>>) src(%arg15 : memref<128x128xf32, #tpu.memory_space<vmem>>) dst(%dma_wait3A_572 : memref<128x128xf32, #tpu.memory_space<hbm>>)
    %dma_start3A_573 = arith.constant 12288 : i32
    %dma_start3A_574 = arith.constant 0 : i32
    %dma_start3A_575 = tpu.memref_slice %arg3[%dma_start3A_573, %dma_start3A_574] : memref<65536x128xf32, #tpu.memory_space<hbm>> -> memref<4096x128xf32, #tpu.memory_space<hbm>>
    %dma_start3A_576 = arith.constant 0 : i32
    %dma_start3A_577 = arith.constant 0 : i32
    %dma_start3A_578 = tpu.memref_slice %dma_start3A_575[%dma_start3A_576, %dma_start3A_577] : memref<4096x128xf32, #tpu.memory_space<hbm>> -> memref<4096x128xf32, #tpu.memory_space<hbm>>
    tpu.enqueue_indirect_dma source(%dma_start3A_578 : memref<4096x128xf32, #tpu.memory_space<hbm>>) target(%arg15 : memref<128x128xf32, #tpu.memory_space<vmem>>) offsets(%arg9 : memref<128xi32, #tpu.memory_space<vmem>>) semaphore(%arg20 : memref<!tpu.dma_semaphore, #tpu.memory_space<semaphore_mem>>)
    %dma_wait3A_579 = arith.constant 4096 : i32
    %dma_wait3A_580 = arith.constant 0 : i32
    %dma_wait3A_581 = tpu.memref_slice %arg3[%dma_wait3A_579, %dma_wait3A_580] : memref<65536x128xf32, #tpu.memory_space<hbm>> -> memref<4096x128xf32, #tpu.memory_space<hbm>>
    %dma_wait3A_582 = arith.constant 0 : i32
    %dma_wait3A_583 = arith.constant 0 : i32
    %dma_wait3A_584 = tpu.memref_slice %dma_wait3A_581[%dma_wait3A_582, %dma_wait3A_583] : memref<4096x128xf32, #tpu.memory_space<hbm>> -> memref<4096x128xf32, #tpu.memory_space<hbm>>
    tpu.wait_indirect_dma semaphore(%arg18 : memref<!tpu.dma_semaphore, #tpu.memory_space<semaphore_mem>>) src(%dma_wait3A_584 : memref<4096x128xf32, #tpu.memory_space<hbm>>) dst(%arg13 : memref<128x128xf32, #tpu.memory_space<vmem>>)
    %add3A_585 = arith.constant 69632 : i32
    %add3A_586 = arith.addi %add3A_585, %mul3A_2 : i32
    %dma_start3A_587 = arith.constant 0 : i32
    %dma_start3A_588 = tpu.memref_slice %arg6[%add3A_586, %dma_start3A_587] : memref<131072x128xf32, #tpu.memory_space<hbm>> -> memref<128x128xf32, #tpu.memory_space<hbm>>
    %dma_start3A_589 = arith.constant 0 : i32
    %dma_start3A_590 = tpu.memref_slice %arg6[%add3A_586, %dma_start3A_589] : memref<131072x128xf32, #tpu.memory_space<hbm>> -> memref<128x128xf32, #tpu.memory_space<hbm>>
    tpu.enqueue_dma source(%arg13 : memref<128x128xf32, #tpu.memory_space<vmem>>) target(%dma_start3A_590 : memref<128x128xf32, #tpu.memory_space<hbm>>) target_semaphore(%arg23 : memref<!tpu.dma_semaphore, #tpu.memory_space<semaphore_mem>>)
    %add3A_591 = arith.constant 61440 : i32
    %add3A_592 = arith.addi %add3A_591, %mul3A_2 : i32
    %dma_wait3A_593 = arith.constant 0 : i32
    %dma_wait3A_594 = tpu.memref_slice %arg6[%add3A_592, %dma_wait3A_593] : memref<131072x128xf32, #tpu.memory_space<hbm>> -> memref<128x128xf32, #tpu.memory_space<hbm>>
    %dma_wait3A_595 = arith.constant 0 : i32
    %dma_wait3A_596 = tpu.memref_slice %arg6[%add3A_592, %dma_wait3A_595] : memref<131072x128xf32, #tpu.memory_space<hbm>> -> memref<128x128xf32, #tpu.memory_space<hbm>>
    tpu.wait_dma2 semaphore(%arg21 : memref<!tpu.dma_semaphore, #tpu.memory_space<semaphore_mem>>) src(%arg11 : memref<128x128xf32, #tpu.memory_space<vmem>>) dst(%dma_wait3A_596 : memref<128x128xf32, #tpu.memory_space<hbm>>)
    %dma_start3A_597 = arith.constant 16384 : i32
    %dma_start3A_598 = arith.constant 0 : i32
    %dma_start3A_599 = tpu.memref_slice %arg3[%dma_start3A_597, %dma_start3A_598] : memref<65536x128xf32, #tpu.memory_space<hbm>> -> memref<4096x128xf32, #tpu.memory_space<hbm>>
    %dma_start3A_600 = arith.constant 0 : i32
    %dma_start3A_601 = arith.constant 0 : i32
    %dma_start3A_602 = tpu.memref_slice %dma_start3A_599[%dma_start3A_600, %dma_start3A_601] : memref<4096x128xf32, #tpu.memory_space<hbm>> -> memref<4096x128xf32, #tpu.memory_space<hbm>>
    tpu.enqueue_indirect_dma source(%dma_start3A_602 : memref<4096x128xf32, #tpu.memory_space<hbm>>) target(%arg11 : memref<128x128xf32, #tpu.memory_space<vmem>>) offsets(%arg9 : memref<128xi32, #tpu.memory_space<vmem>>) semaphore(%arg16 : memref<!tpu.dma_semaphore, #tpu.memory_space<semaphore_mem>>)
    %dma_wait3A_603 = arith.constant 8192 : i32
    %dma_wait3A_604 = arith.constant 0 : i32
    %dma_wait3A_605 = tpu.memref_slice %arg3[%dma_wait3A_603, %dma_wait3A_604] : memref<65536x128xf32, #tpu.memory_space<hbm>> -> memref<4096x128xf32, #tpu.memory_space<hbm>>
    %dma_wait3A_606 = arith.constant 0 : i32
    %dma_wait3A_607 = arith.constant 0 : i32
    %dma_wait3A_608 = tpu.memref_slice %dma_wait3A_605[%dma_wait3A_606, %dma_wait3A_607] : memref<4096x128xf32, #tpu.memory_space<hbm>> -> memref<4096x128xf32, #tpu.memory_space<hbm>>
    tpu.wait_indirect_dma semaphore(%arg19 : memref<!tpu.dma_semaphore, #tpu.memory_space<semaphore_mem>>) src(%dma_wait3A_608 : memref<4096x128xf32, #tpu.memory_space<hbm>>) dst(%arg14 : memref<128x128xf32, #tpu.memory_space<vmem>>)
    %add3A_609 = arith.constant 73728 : i32
    %add3A_610 = arith.addi %add3A_609, %mul3A_2 : i32
    %dma_start3A_611 = arith.constant 0 : i32
    %dma_start3A_612 = tpu.memref_slice %arg6[%add3A_610, %dma_start3A_611] : memref<131072x128xf32, #tpu.memory_space<hbm>> -> memref<128x128xf32, #tpu.memory_space<hbm>>
    %dma_start3A_613 = arith.constant 0 : i32
    %dma_start3A_614 = tpu.memref_slice %arg6[%add3A_610, %dma_start3A_613] : memref<131072x128xf32, #tpu.memory_space<hbm>> -> memref<128x128xf32, #tpu.memory_space<hbm>>
    tpu.enqueue_dma source(%arg14 : memref<128x128xf32, #tpu.memory_space<vmem>>) target(%dma_start3A_614 : memref<128x128xf32, #tpu.memory_space<hbm>>) target_semaphore(%arg24 : memref<!tpu.dma_semaphore, #tpu.memory_space<semaphore_mem>>)
    %add3A_615 = arith.constant 65536 : i32
    %add3A_616 = arith.addi %add3A_615, %mul3A_2 : i32
    %dma_wait3A_617 = arith.constant 0 : i32
    %dma_wait3A_618 = tpu.memref_slice %arg6[%add3A_616, %dma_wait3A_617] : memref<131072x128xf32, #tpu.memory_space<hbm>> -> memref<128x128xf32, #tpu.memory_space<hbm>>
    %dma_wait3A_619 = arith.constant 0 : i32
    %dma_wait3A_620 = tpu.memref_slice %arg6[%add3A_616, %dma_wait3A_619] : memref<131072x128xf32, #tpu.memory_space<hbm>> -> memref<128x128xf32, #tpu.memory_space<hbm>>
    tpu.wait_dma2 semaphore(%arg22 : memref<!tpu.dma_semaphore, #tpu.memory_space<semaphore_mem>>) src(%arg12 : memref<128x128xf32, #tpu.memory_space<vmem>>) dst(%dma_wait3A_620 : memref<128x128xf32, #tpu.memory_space<hbm>>)
    %dma_start3A_621 = arith.constant 20480 : i32
    %dma_start3A_622 = arith.constant 0 : i32
    %dma_start3A_623 = tpu.memref_slice %arg3[%dma_start3A_621, %dma_start3A_622] : memref<65536x128xf32, #tpu.memory_space<hbm>> -> memref<4096x128xf32, #tpu.memory_space<hbm>>
    %dma_start3A_624 = arith.constant 0 : i32
    %dma_start3A_625 = arith.constant 0 : i32
    %dma_start3A_626 = tpu.memref_slice %dma_start3A_623[%dma_start3A_624, %dma_start3A_625] : memref<4096x128xf32, #tpu.memory_space<hbm>> -> memref<4096x128xf32, #tpu.memory_space<hbm>>
    tpu.enqueue_indirect_dma source(%dma_start3A_626 : memref<4096x128xf32, #tpu.memory_space<hbm>>) target(%arg12 : memref<128x128xf32, #tpu.memory_space<vmem>>) offsets(%arg9 : memref<128xi32, #tpu.memory_space<vmem>>) semaphore(%arg17 : memref<!tpu.dma_semaphore, #tpu.memory_space<semaphore_mem>>)
    %dma_wait3A_627 = arith.constant 12288 : i32
    %dma_wait3A_628 = arith.constant 0 : i32
    %dma_wait3A_629 = tpu.memref_slice %arg3[%dma_wait3A_627, %dma_wait3A_628] : memref<65536x128xf32, #tpu.memory_space<hbm>> -> memref<4096x128xf32, #tpu.memory_space<hbm>>
    %dma_wait3A_630 = arith.constant 0 : i32
    %dma_wait3A_631 = arith.constant 0 : i32
    %dma_wait3A_632 = tpu.memref_slice %dma_wait3A_629[%dma_wait3A_630, %dma_wait3A_631] : memref<4096x128xf32, #tpu.memory_space<hbm>> -> memref<4096x128xf32, #tpu.memory_space<hbm>>
    tpu.wait_indirect_dma semaphore(%arg20 : memref<!tpu.dma_semaphore, #tpu.memory_space<semaphore_mem>>) src(%dma_wait3A_632 : memref<4096x128xf32, #tpu.memory_space<hbm>>) dst(%arg15 : memref<128x128xf32, #tpu.memory_space<vmem>>)
    %add3A_633 = arith.constant 77824 : i32
    %add3A_634 = arith.addi %add3A_633, %mul3A_2 : i32
    %dma_start3A_635 = arith.constant 0 : i32
    %dma_start3A_636 = tpu.memref_slice %arg6[%add3A_634, %dma_start3A_635] : memref<131072x128xf32, #tpu.memory_space<hbm>> -> memref<128x128xf32, #tpu.memory_space<hbm>>
    %dma_start3A_637 = arith.constant 0 : i32
    %dma_start3A_638 = tpu.memref_slice %arg6[%add3A_634, %dma_start3A_637] : memref<131072x128xf32, #tpu.memory_space<hbm>> -> memref<128x128xf32, #tpu.memory_space<hbm>>
    tpu.enqueue_dma source(%arg15 : memref<128x128xf32, #tpu.memory_space<vmem>>) target(%dma_start3A_638 : memref<128x128xf32, #tpu.memory_space<hbm>>) target_semaphore(%arg25 : memref<!tpu.dma_semaphore, #tpu.memory_space<semaphore_mem>>)
    %add3A_639 = arith.constant 69632 : i32
    %add3A_640 = arith.addi %add3A_639, %mul3A_2 : i32
    %dma_wait3A_641 = arith.constant 0 : i32
    %dma_wait3A_642 = tpu.memref_slice %arg6[%add3A_640, %dma_wait3A_641] : memref<131072x128xf32, #tpu.memory_space<hbm>> -> memref<128x128xf32, #tpu.memory_space<hbm>>
    %dma_wait3A_643 = arith.constant 0 : i32
    %dma_wait3A_644 = tpu.memref_slice %arg6[%add3A_640, %dma_wait3A_643] : memref<131072x128xf32, #tpu.memory_space<hbm>> -> memref<128x128xf32, #tpu.memory_space<hbm>>
    tpu.wait_dma2 semaphore(%arg23 : memref<!tpu.dma_semaphore, #tpu.memory_space<semaphore_mem>>) src(%arg13 : memref<128x128xf32, #tpu.memory_space<vmem>>) dst(%dma_wait3A_644 : memref<128x128xf32, #tpu.memory_space<hbm>>)
    %dma_start3A_645 = arith.constant 24576 : i32
    %dma_start3A_646 = arith.constant 0 : i32
    %dma_start3A_647 = tpu.memref_slice %arg3[%dma_start3A_645, %dma_start3A_646] : memref<65536x128xf32, #tpu.memory_space<hbm>> -> memref<4096x128xf32, #tpu.memory_space<hbm>>
    %dma_start3A_648 = arith.constant 0 : i32
    %dma_start3A_649 = arith.constant 0 : i32
    %dma_start3A_650 = tpu.memref_slice %dma_start3A_647[%dma_start3A_648, %dma_start3A_649] : memref<4096x128xf32, #tpu.memory_space<hbm>> -> memref<4096x128xf32, #tpu.memory_space<hbm>>
    tpu.enqueue_indirect_dma source(%dma_start3A_650 : memref<4096x128xf32, #tpu.memory_space<hbm>>) target(%arg13 : memref<128x128xf32, #tpu.memory_space<vmem>>) offsets(%arg9 : memref<128xi32, #tpu.memory_space<vmem>>) semaphore(%arg18 : memref<!tpu.dma_semaphore, #tpu.memory_space<semaphore_mem>>)
    %dma_wait3A_651 = arith.constant 16384 : i32
    %dma_wait3A_652 = arith.constant 0 : i32
    %dma_wait3A_653 = tpu.memref_slice %arg3[%dma_wait3A_651, %dma_wait3A_652] : memref<65536x128xf32, #tpu.memory_space<hbm>> -> memref<4096x128xf32, #tpu.memory_space<hbm>>
    %dma_wait3A_654 = arith.constant 0 : i32
    %dma_wait3A_655 = arith.constant 0 : i32
    %dma_wait3A_656 = tpu.memref_slice %dma_wait3A_653[%dma_wait3A_654, %dma_wait3A_655] : memref<4096x128xf32, #tpu.memory_space<hbm>> -> memref<4096x128xf32, #tpu.memory_space<hbm>>
    tpu.wait_indirect_dma semaphore(%arg16 : memref<!tpu.dma_semaphore, #tpu.memory_space<semaphore_mem>>) src(%dma_wait3A_656 : memref<4096x128xf32, #tpu.memory_space<hbm>>) dst(%arg11 : memref<128x128xf32, #tpu.memory_space<vmem>>)
    %add3A_657 = arith.constant 81920 : i32
    %add3A_658 = arith.addi %add3A_657, %mul3A_2 : i32
    %dma_start3A_659 = arith.constant 0 : i32
    %dma_start3A_660 = tpu.memref_slice %arg6[%add3A_658, %dma_start3A_659] : memref<131072x128xf32, #tpu.memory_space<hbm>> -> memref<128x128xf32, #tpu.memory_space<hbm>>
    %dma_start3A_661 = arith.constant 0 : i32
    %dma_start3A_662 = tpu.memref_slice %arg6[%add3A_658, %dma_start3A_661] : memref<131072x128xf32, #tpu.memory_space<hbm>> -> memref<128x128xf32, #tpu.memory_space<hbm>>
    tpu.enqueue_dma source(%arg11 : memref<128x128xf32, #tpu.memory_space<vmem>>) target(%dma_start3A_662 : memref<128x128xf32, #tpu.memory_space<hbm>>) target_semaphore(%arg21 : memref<!tpu.dma_semaphore, #tpu.memory_space<semaphore_mem>>)
    %add3A_663 = arith.constant 73728 : i32
    %add3A_664 = arith.addi %add3A_663, %mul3A_2 : i32
    %dma_wait3A_665 = arith.constant 0 : i32
    %dma_wait3A_666 = tpu.memref_slice %arg6[%add3A_664, %dma_wait3A_665] : memref<131072x128xf32, #tpu.memory_space<hbm>> -> memref<128x128xf32, #tpu.memory_space<hbm>>
    %dma_wait3A_667 = arith.constant 0 : i32
    %dma_wait3A_668 = tpu.memref_slice %arg6[%add3A_664, %dma_wait3A_667] : memref<131072x128xf32, #tpu.memory_space<hbm>> -> memref<128x128xf32, #tpu.memory_space<hbm>>
    tpu.wait_dma2 semaphore(%arg24 : memref<!tpu.dma_semaphore, #tpu.memory_space<semaphore_mem>>) src(%arg14 : memref<128x128xf32, #tpu.memory_space<vmem>>) dst(%dma_wait3A_668 : memref<128x128xf32, #tpu.memory_space<hbm>>)
    %dma_start3A_669 = arith.constant 28672 : i32
    %dma_start3A_670 = arith.constant 0 : i32
    %dma_start3A_671 = tpu.memref_slice %arg3[%dma_start3A_669, %dma_start3A_670] : memref<65536x128xf32, #tpu.memory_space<hbm>> -> memref<4096x128xf32, #tpu.memory_space<hbm>>
    %dma_start3A_672 = arith.constant 0 : i32
    %dma_start3A_673 = arith.constant 0 : i32
    %dma_start3A_674 = tpu.memref_slice %dma_start3A_671[%dma_start3A_672, %dma_start3A_673] : memref<4096x128xf32, #tpu.memory_space<hbm>> -> memref<4096x128xf32, #tpu.memory_space<hbm>>
    tpu.enqueue_indirect_dma source(%dma_start3A_674 : memref<4096x128xf32, #tpu.memory_space<hbm>>) target(%arg14 : memref<128x128xf32, #tpu.memory_space<vmem>>) offsets(%arg9 : memref<128xi32, #tpu.memory_space<vmem>>) semaphore(%arg19 : memref<!tpu.dma_semaphore, #tpu.memory_space<semaphore_mem>>)
    %dma_wait3A_675 = arith.constant 20480 : i32
    %dma_wait3A_676 = arith.constant 0 : i32
    %dma_wait3A_677 = tpu.memref_slice %arg3[%dma_wait3A_675, %dma_wait3A_676] : memref<65536x128xf32, #tpu.memory_space<hbm>> -> memref<4096x128xf32, #tpu.memory_space<hbm>>
    %dma_wait3A_678 = arith.constant 0 : i32
    %dma_wait3A_679 = arith.constant 0 : i32
    %dma_wait3A_680 = tpu.memref_slice %dma_wait3A_677[%dma_wait3A_678, %dma_wait3A_679] : memref<4096x128xf32, #tpu.memory_space<hbm>> -> memref<4096x128xf32, #tpu.memory_space<hbm>>
    tpu.wait_indirect_dma semaphore(%arg17 : memref<!tpu.dma_semaphore, #tpu.memory_space<semaphore_mem>>) src(%dma_wait3A_680 : memref<4096x128xf32, #tpu.memory_space<hbm>>) dst(%arg12 : memref<128x128xf32, #tpu.memory_space<vmem>>)
    %add3A_681 = arith.constant 86016 : i32
    %add3A_682 = arith.addi %add3A_681, %mul3A_2 : i32
    %dma_start3A_683 = arith.constant 0 : i32
    %dma_start3A_684 = tpu.memref_slice %arg6[%add3A_682, %dma_start3A_683] : memref<131072x128xf32, #tpu.memory_space<hbm>> -> memref<128x128xf32, #tpu.memory_space<hbm>>
    %dma_start3A_685 = arith.constant 0 : i32
    %dma_start3A_686 = tpu.memref_slice %arg6[%add3A_682, %dma_start3A_685] : memref<131072x128xf32, #tpu.memory_space<hbm>> -> memref<128x128xf32, #tpu.memory_space<hbm>>
    tpu.enqueue_dma source(%arg12 : memref<128x128xf32, #tpu.memory_space<vmem>>) target(%dma_start3A_686 : memref<128x128xf32, #tpu.memory_space<hbm>>) target_semaphore(%arg22 : memref<!tpu.dma_semaphore, #tpu.memory_space<semaphore_mem>>)
    %add3A_687 = arith.constant 77824 : i32
    %add3A_688 = arith.addi %add3A_687, %mul3A_2 : i32
    %dma_wait3A_689 = arith.constant 0 : i32
    %dma_wait3A_690 = tpu.memref_slice %arg6[%add3A_688, %dma_wait3A_689] : memref<131072x128xf32, #tpu.memory_space<hbm>> -> memref<128x128xf32, #tpu.memory_space<hbm>>
    %dma_wait3A_691 = arith.constant 0 : i32
    %dma_wait3A_692 = tpu.memref_slice %arg6[%add3A_688, %dma_wait3A_691] : memref<131072x128xf32, #tpu.memory_space<hbm>> -> memref<128x128xf32, #tpu.memory_space<hbm>>
    tpu.wait_dma2 semaphore(%arg25 : memref<!tpu.dma_semaphore, #tpu.memory_space<semaphore_mem>>) src(%arg15 : memref<128x128xf32, #tpu.memory_space<vmem>>) dst(%dma_wait3A_692 : memref<128x128xf32, #tpu.memory_space<hbm>>)
    %dma_start3A_693 = arith.constant 32768 : i32
    %dma_start3A_694 = arith.constant 0 : i32
    %dma_start3A_695 = tpu.memref_slice %arg3[%dma_start3A_693, %dma_start3A_694] : memref<65536x128xf32, #tpu.memory_space<hbm>> -> memref<4096x128xf32, #tpu.memory_space<hbm>>
    %dma_start3A_696 = arith.constant 0 : i32
    %dma_start3A_697 = arith.constant 0 : i32
    %dma_start3A_698 = tpu.memref_slice %dma_start3A_695[%dma_start3A_696, %dma_start3A_697] : memref<4096x128xf32, #tpu.memory_space<hbm>> -> memref<4096x128xf32, #tpu.memory_space<hbm>>
    tpu.enqueue_indirect_dma source(%dma_start3A_698 : memref<4096x128xf32, #tpu.memory_space<hbm>>) target(%arg15 : memref<128x128xf32, #tpu.memory_space<vmem>>) offsets(%arg9 : memref<128xi32, #tpu.memory_space<vmem>>) semaphore(%arg20 : memref<!tpu.dma_semaphore, #tpu.memory_space<semaphore_mem>>)
    %dma_wait3A_699 = arith.constant 24576 : i32
    %dma_wait3A_700 = arith.constant 0 : i32
    %dma_wait3A_701 = tpu.memref_slice %arg3[%dma_wait3A_699, %dma_wait3A_700] : memref<65536x128xf32, #tpu.memory_space<hbm>> -> memref<4096x128xf32, #tpu.memory_space<hbm>>
    %dma_wait3A_702 = arith.constant 0 : i32
    %dma_wait3A_703 = arith.constant 0 : i32
    %dma_wait3A_704 = tpu.memref_slice %dma_wait3A_701[%dma_wait3A_702, %dma_wait3A_703] : memref<4096x128xf32, #tpu.memory_space<hbm>> -> memref<4096x128xf32, #tpu.memory_space<hbm>>
    tpu.wait_indirect_dma semaphore(%arg18 : memref<!tpu.dma_semaphore, #tpu.memory_space<semaphore_mem>>) src(%dma_wait3A_704 : memref<4096x128xf32, #tpu.memory_space<hbm>>) dst(%arg13 : memref<128x128xf32, #tpu.memory_space<vmem>>)
    %add3A_705 = arith.constant 90112 : i32
    %add3A_706 = arith.addi %add3A_705, %mul3A_2 : i32
    %dma_start3A_707 = arith.constant 0 : i32
    %dma_start3A_708 = tpu.memref_slice %arg6[%add3A_706, %dma_start3A_707] : memref<131072x128xf32, #tpu.memory_space<hbm>> -> memref<128x128xf32, #tpu.memory_space<hbm>>
    %dma_start3A_709 = arith.constant 0 : i32
    %dma_start3A_710 = tpu.memref_slice %arg6[%add3A_706, %dma_start3A_709] : memref<131072x128xf32, #tpu.memory_space<hbm>> -> memref<128x128xf32, #tpu.memory_space<hbm>>
    tpu.enqueue_dma source(%arg13 : memref<128x128xf32, #tpu.memory_space<vmem>>) target(%dma_start3A_710 : memref<128x128xf32, #tpu.memory_space<hbm>>) target_semaphore(%arg23 : memref<!tpu.dma_semaphore, #tpu.memory_space<semaphore_mem>>)
    %add3A_711 = arith.constant 81920 : i32
    %add3A_712 = arith.addi %add3A_711, %mul3A_2 : i32
    %dma_wait3A_713 = arith.constant 0 : i32
    %dma_wait3A_714 = tpu.memref_slice %arg6[%add3A_712, %dma_wait3A_713] : memref<131072x128xf32, #tpu.memory_space<hbm>> -> memref<128x128xf32, #tpu.memory_space<hbm>>
    %dma_wait3A_715 = arith.constant 0 : i32
    %dma_wait3A_716 = tpu.memref_slice %arg6[%add3A_712, %dma_wait3A_715] : memref<131072x128xf32, #tpu.memory_space<hbm>> -> memref<128x128xf32, #tpu.memory_space<hbm>>
    tpu.wait_dma2 semaphore(%arg21 : memref<!tpu.dma_semaphore, #tpu.memory_space<semaphore_mem>>) src(%arg11 : memref<128x128xf32, #tpu.memory_space<vmem>>) dst(%dma_wait3A_716 : memref<128x128xf32, #tpu.memory_space<hbm>>)
    %dma_start3A_717 = arith.constant 36864 : i32
    %dma_start3A_718 = arith.constant 0 : i32
    %dma_start3A_719 = tpu.memref_slice %arg3[%dma_start3A_717, %dma_start3A_718] : memref<65536x128xf32, #tpu.memory_space<hbm>> -> memref<4096x128xf32, #tpu.memory_space<hbm>>
    %dma_start3A_720 = arith.constant 0 : i32
    %dma_start3A_721 = arith.constant 0 : i32
    %dma_start3A_722 = tpu.memref_slice %dma_start3A_719[%dma_start3A_720, %dma_start3A_721] : memref<4096x128xf32, #tpu.memory_space<hbm>> -> memref<4096x128xf32, #tpu.memory_space<hbm>>
    tpu.enqueue_indirect_dma source(%dma_start3A_722 : memref<4096x128xf32, #tpu.memory_space<hbm>>) target(%arg11 : memref<128x128xf32, #tpu.memory_space<vmem>>) offsets(%arg9 : memref<128xi32, #tpu.memory_space<vmem>>) semaphore(%arg16 : memref<!tpu.dma_semaphore, #tpu.memory_space<semaphore_mem>>)
    %dma_wait3A_723 = arith.constant 28672 : i32
    %dma_wait3A_724 = arith.constant 0 : i32
    %dma_wait3A_725 = tpu.memref_slice %arg3[%dma_wait3A_723, %dma_wait3A_724] : memref<65536x128xf32, #tpu.memory_space<hbm>> -> memref<4096x128xf32, #tpu.memory_space<hbm>>
    %dma_wait3A_726 = arith.constant 0 : i32
    %dma_wait3A_727 = arith.constant 0 : i32
    %dma_wait3A_728 = tpu.memref_slice %dma_wait3A_725[%dma_wait3A_726, %dma_wait3A_727] : memref<4096x128xf32, #tpu.memory_space<hbm>> -> memref<4096x128xf32, #tpu.memory_space<hbm>>
    tpu.wait_indirect_dma semaphore(%arg19 : memref<!tpu.dma_semaphore, #tpu.memory_space<semaphore_mem>>) src(%dma_wait3A_728 : memref<4096x128xf32, #tpu.memory_space<hbm>>) dst(%arg14 : memref<128x128xf32, #tpu.memory_space<vmem>>)
    %add3A_729 = arith.constant 94208 : i32
    %add3A_730 = arith.addi %add3A_729, %mul3A_2 : i32
    %dma_start3A_731 = arith.constant 0 : i32
    %dma_start3A_732 = tpu.memref_slice %arg6[%add3A_730, %dma_start3A_731] : memref<131072x128xf32, #tpu.memory_space<hbm>> -> memref<128x128xf32, #tpu.memory_space<hbm>>
    %dma_start3A_733 = arith.constant 0 : i32
    %dma_start3A_734 = tpu.memref_slice %arg6[%add3A_730, %dma_start3A_733] : memref<131072x128xf32, #tpu.memory_space<hbm>> -> memref<128x128xf32, #tpu.memory_space<hbm>>
    tpu.enqueue_dma source(%arg14 : memref<128x128xf32, #tpu.memory_space<vmem>>) target(%dma_start3A_734 : memref<128x128xf32, #tpu.memory_space<hbm>>) target_semaphore(%arg24 : memref<!tpu.dma_semaphore, #tpu.memory_space<semaphore_mem>>)
    %add3A_735 = arith.constant 86016 : i32
    %add3A_736 = arith.addi %add3A_735, %mul3A_2 : i32
    %dma_wait3A_737 = arith.constant 0 : i32
    %dma_wait3A_738 = tpu.memref_slice %arg6[%add3A_736, %dma_wait3A_737] : memref<131072x128xf32, #tpu.memory_space<hbm>> -> memref<128x128xf32, #tpu.memory_space<hbm>>
    %dma_wait3A_739 = arith.constant 0 : i32
    %dma_wait3A_740 = tpu.memref_slice %arg6[%add3A_736, %dma_wait3A_739] : memref<131072x128xf32, #tpu.memory_space<hbm>> -> memref<128x128xf32, #tpu.memory_space<hbm>>
    tpu.wait_dma2 semaphore(%arg22 : memref<!tpu.dma_semaphore, #tpu.memory_space<semaphore_mem>>) src(%arg12 : memref<128x128xf32, #tpu.memory_space<vmem>>) dst(%dma_wait3A_740 : memref<128x128xf32, #tpu.memory_space<hbm>>)
    %dma_start3A_741 = arith.constant 40960 : i32
    %dma_start3A_742 = arith.constant 0 : i32
    %dma_start3A_743 = tpu.memref_slice %arg3[%dma_start3A_741, %dma_start3A_742] : memref<65536x128xf32, #tpu.memory_space<hbm>> -> memref<4096x128xf32, #tpu.memory_space<hbm>>
    %dma_start3A_744 = arith.constant 0 : i32
    %dma_start3A_745 = arith.constant 0 : i32
    %dma_start3A_746 = tpu.memref_slice %dma_start3A_743[%dma_start3A_744, %dma_start3A_745] : memref<4096x128xf32, #tpu.memory_space<hbm>> -> memref<4096x128xf32, #tpu.memory_space<hbm>>
    tpu.enqueue_indirect_dma source(%dma_start3A_746 : memref<4096x128xf32, #tpu.memory_space<hbm>>) target(%arg12 : memref<128x128xf32, #tpu.memory_space<vmem>>) offsets(%arg9 : memref<128xi32, #tpu.memory_space<vmem>>) semaphore(%arg17 : memref<!tpu.dma_semaphore, #tpu.memory_space<semaphore_mem>>)
    %dma_wait3A_747 = arith.constant 32768 : i32
    %dma_wait3A_748 = arith.constant 0 : i32
    %dma_wait3A_749 = tpu.memref_slice %arg3[%dma_wait3A_747, %dma_wait3A_748] : memref<65536x128xf32, #tpu.memory_space<hbm>> -> memref<4096x128xf32, #tpu.memory_space<hbm>>
    %dma_wait3A_750 = arith.constant 0 : i32
    %dma_wait3A_751 = arith.constant 0 : i32
    %dma_wait3A_752 = tpu.memref_slice %dma_wait3A_749[%dma_wait3A_750, %dma_wait3A_751] : memref<4096x128xf32, #tpu.memory_space<hbm>> -> memref<4096x128xf32, #tpu.memory_space<hbm>>
    tpu.wait_indirect_dma semaphore(%arg20 : memref<!tpu.dma_semaphore, #tpu.memory_space<semaphore_mem>>) src(%dma_wait3A_752 : memref<4096x128xf32, #tpu.memory_space<hbm>>) dst(%arg15 : memref<128x128xf32, #tpu.memory_space<vmem>>)
    %add3A_753 = arith.constant 98304 : i32
    %add3A_754 = arith.addi %add3A_753, %mul3A_2 : i32
    %dma_start3A_755 = arith.constant 0 : i32
    %dma_start3A_756 = tpu.memref_slice %arg6[%add3A_754, %dma_start3A_755] : memref<131072x128xf32, #tpu.memory_space<hbm>> -> memref<128x128xf32, #tpu.memory_space<hbm>>
    %dma_start3A_757 = arith.constant 0 : i32
    %dma_start3A_758 = tpu.memref_slice %arg6[%add3A_754, %dma_start3A_757] : memref<131072x128xf32, #tpu.memory_space<hbm>> -> memref<128x128xf32, #tpu.memory_space<hbm>>
    tpu.enqueue_dma source(%arg15 : memref<128x128xf32, #tpu.memory_space<vmem>>) target(%dma_start3A_758 : memref<128x128xf32, #tpu.memory_space<hbm>>) target_semaphore(%arg25 : memref<!tpu.dma_semaphore, #tpu.memory_space<semaphore_mem>>)
    %add3A_759 = arith.constant 90112 : i32
    %add3A_760 = arith.addi %add3A_759, %mul3A_2 : i32
    %dma_wait3A_761 = arith.constant 0 : i32
    %dma_wait3A_762 = tpu.memref_slice %arg6[%add3A_760, %dma_wait3A_761] : memref<131072x128xf32, #tpu.memory_space<hbm>> -> memref<128x128xf32, #tpu.memory_space<hbm>>
    %dma_wait3A_763 = arith.constant 0 : i32
    %dma_wait3A_764 = tpu.memref_slice %arg6[%add3A_760, %dma_wait3A_763] : memref<131072x128xf32, #tpu.memory_space<hbm>> -> memref<128x128xf32, #tpu.memory_space<hbm>>
    tpu.wait_dma2 semaphore(%arg23 : memref<!tpu.dma_semaphore, #tpu.memory_space<semaphore_mem>>) src(%arg13 : memref<128x128xf32, #tpu.memory_space<vmem>>) dst(%dma_wait3A_764 : memref<128x128xf32, #tpu.memory_space<hbm>>)
    %dma_start3A_765 = arith.constant 45056 : i32
    %dma_start3A_766 = arith.constant 0 : i32
    %dma_start3A_767 = tpu.memref_slice %arg3[%dma_start3A_765, %dma_start3A_766] : memref<65536x128xf32, #tpu.memory_space<hbm>> -> memref<4096x128xf32, #tpu.memory_space<hbm>>
    %dma_start3A_768 = arith.constant 0 : i32
    %dma_start3A_769 = arith.constant 0 : i32
    %dma_start3A_770 = tpu.memref_slice %dma_start3A_767[%dma_start3A_768, %dma_start3A_769] : memref<4096x128xf32, #tpu.memory_space<hbm>> -> memref<4096x128xf32, #tpu.memory_space<hbm>>
    tpu.enqueue_indirect_dma source(%dma_start3A_770 : memref<4096x128xf32, #tpu.memory_space<hbm>>) target(%arg13 : memref<128x128xf32, #tpu.memory_space<vmem>>) offsets(%arg9 : memref<128xi32, #tpu.memory_space<vmem>>) semaphore(%arg18 : memref<!tpu.dma_semaphore, #tpu.memory_space<semaphore_mem>>)
    %dma_wait3A_771 = arith.constant 36864 : i32
    %dma_wait3A_772 = arith.constant 0 : i32
    %dma_wait3A_773 = tpu.memref_slice %arg3[%dma_wait3A_771, %dma_wait3A_772] : memref<65536x128xf32, #tpu.memory_space<hbm>> -> memref<4096x128xf32, #tpu.memory_space<hbm>>
    %dma_wait3A_774 = arith.constant 0 : i32
    %dma_wait3A_775 = arith.constant 0 : i32
    %dma_wait3A_776 = tpu.memref_slice %dma_wait3A_773[%dma_wait3A_774, %dma_wait3A_775] : memref<4096x128xf32, #tpu.memory_space<hbm>> -> memref<4096x128xf32, #tpu.memory_space<hbm>>
    tpu.wait_indirect_dma semaphore(%arg16 : memref<!tpu.dma_semaphore, #tpu.memory_space<semaphore_mem>>) src(%dma_wait3A_776 : memref<4096x128xf32, #tpu.memory_space<hbm>>) dst(%arg11 : memref<128x128xf32, #tpu.memory_space<vmem>>)
    %add3A_777 = arith.constant 102400 : i32
    %add3A_778 = arith.addi %add3A_777, %mul3A_2 : i32
    %dma_start3A_779 = arith.constant 0 : i32
    %dma_start3A_780 = tpu.memref_slice %arg6[%add3A_778, %dma_start3A_779] : memref<131072x128xf32, #tpu.memory_space<hbm>> -> memref<128x128xf32, #tpu.memory_space<hbm>>
    %dma_start3A_781 = arith.constant 0 : i32
    %dma_start3A_782 = tpu.memref_slice %arg6[%add3A_778, %dma_start3A_781] : memref<131072x128xf32, #tpu.memory_space<hbm>> -> memref<128x128xf32, #tpu.memory_space<hbm>>
    tpu.enqueue_dma source(%arg11 : memref<128x128xf32, #tpu.memory_space<vmem>>) target(%dma_start3A_782 : memref<128x128xf32, #tpu.memory_space<hbm>>) target_semaphore(%arg21 : memref<!tpu.dma_semaphore, #tpu.memory_space<semaphore_mem>>)
    %add3A_783 = arith.constant 94208 : i32
    %add3A_784 = arith.addi %add3A_783, %mul3A_2 : i32
    %dma_wait3A_785 = arith.constant 0 : i32
    %dma_wait3A_786 = tpu.memref_slice %arg6[%add3A_784, %dma_wait3A_785] : memref<131072x128xf32, #tpu.memory_space<hbm>> -> memref<128x128xf32, #tpu.memory_space<hbm>>
    %dma_wait3A_787 = arith.constant 0 : i32
    %dma_wait3A_788 = tpu.memref_slice %arg6[%add3A_784, %dma_wait3A_787] : memref<131072x128xf32, #tpu.memory_space<hbm>> -> memref<128x128xf32, #tpu.memory_space<hbm>>
    tpu.wait_dma2 semaphore(%arg24 : memref<!tpu.dma_semaphore, #tpu.memory_space<semaphore_mem>>) src(%arg14 : memref<128x128xf32, #tpu.memory_space<vmem>>) dst(%dma_wait3A_788 : memref<128x128xf32, #tpu.memory_space<hbm>>)
    %dma_start3A_789 = arith.constant 49152 : i32
    %dma_start3A_790 = arith.constant 0 : i32
    %dma_start3A_791 = tpu.memref_slice %arg3[%dma_start3A_789, %dma_start3A_790] : memref<65536x128xf32, #tpu.memory_space<hbm>> -> memref<4096x128xf32, #tpu.memory_space<hbm>>
    %dma_start3A_792 = arith.constant 0 : i32
    %dma_start3A_793 = arith.constant 0 : i32
    %dma_start3A_794 = tpu.memref_slice %dma_start3A_791[%dma_start3A_792, %dma_start3A_793] : memref<4096x128xf32, #tpu.memory_space<hbm>> -> memref<4096x128xf32, #tpu.memory_space<hbm>>
    tpu.enqueue_indirect_dma source(%dma_start3A_794 : memref<4096x128xf32, #tpu.memory_space<hbm>>) target(%arg14 : memref<128x128xf32, #tpu.memory_space<vmem>>) offsets(%arg9 : memref<128xi32, #tpu.memory_space<vmem>>) semaphore(%arg19 : memref<!tpu.dma_semaphore, #tpu.memory_space<semaphore_mem>>)
    %dma_wait3A_795 = arith.constant 40960 : i32
    %dma_wait3A_796 = arith.constant 0 : i32
    %dma_wait3A_797 = tpu.memref_slice %arg3[%dma_wait3A_795, %dma_wait3A_796] : memref<65536x128xf32, #tpu.memory_space<hbm>> -> memref<4096x128xf32, #tpu.memory_space<hbm>>
    %dma_wait3A_798 = arith.constant 0 : i32
    %dma_wait3A_799 = arith.constant 0 : i32
    %dma_wait3A_800 = tpu.memref_slice %dma_wait3A_797[%dma_wait3A_798, %dma_wait3A_799] : memref<4096x128xf32, #tpu.memory_space<hbm>> -> memref<4096x128xf32, #tpu.memory_space<hbm>>
    tpu.wait_indirect_dma semaphore(%arg17 : memref<!tpu.dma_semaphore, #tpu.memory_space<semaphore_mem>>) src(%dma_wait3A_800 : memref<4096x128xf32, #tpu.memory_space<hbm>>) dst(%arg12 : memref<128x128xf32, #tpu.memory_space<vmem>>)
    %add3A_801 = arith.constant 106496 : i32
    %add3A_802 = arith.addi %add3A_801, %mul3A_2 : i32
    %dma_start3A_803 = arith.constant 0 : i32
    %dma_start3A_804 = tpu.memref_slice %arg6[%add3A_802, %dma_start3A_803] : memref<131072x128xf32, #tpu.memory_space<hbm>> -> memref<128x128xf32, #tpu.memory_space<hbm>>
    %dma_start3A_805 = arith.constant 0 : i32
    %dma_start3A_806 = tpu.memref_slice %arg6[%add3A_802, %dma_start3A_805] : memref<131072x128xf32, #tpu.memory_space<hbm>> -> memref<128x128xf32, #tpu.memory_space<hbm>>
    tpu.enqueue_dma source(%arg12 : memref<128x128xf32, #tpu.memory_space<vmem>>) target(%dma_start3A_806 : memref<128x128xf32, #tpu.memory_space<hbm>>) target_semaphore(%arg22 : memref<!tpu.dma_semaphore, #tpu.memory_space<semaphore_mem>>)
    %add3A_807 = arith.constant 98304 : i32
    %add3A_808 = arith.addi %add3A_807, %mul3A_2 : i32
    %dma_wait3A_809 = arith.constant 0 : i32
    %dma_wait3A_810 = tpu.memref_slice %arg6[%add3A_808, %dma_wait3A_809] : memref<131072x128xf32, #tpu.memory_space<hbm>> -> memref<128x128xf32, #tpu.memory_space<hbm>>
    %dma_wait3A_811 = arith.constant 0 : i32
    %dma_wait3A_812 = tpu.memref_slice %arg6[%add3A_808, %dma_wait3A_811] : memref<131072x128xf32, #tpu.memory_space<hbm>> -> memref<128x128xf32, #tpu.memory_space<hbm>>
    tpu.wait_dma2 semaphore(%arg25 : memref<!tpu.dma_semaphore, #tpu.memory_space<semaphore_mem>>) src(%arg15 : memref<128x128xf32, #tpu.memory_space<vmem>>) dst(%dma_wait3A_812 : memref<128x128xf32, #tpu.memory_space<hbm>>)
    %dma_start3A_813 = arith.constant 53248 : i32
    %dma_start3A_814 = arith.constant 0 : i32
    %dma_start3A_815 = tpu.memref_slice %arg3[%dma_start3A_813, %dma_start3A_814] : memref<65536x128xf32, #tpu.memory_space<hbm>> -> memref<4096x128xf32, #tpu.memory_space<hbm>>
    %dma_start3A_816 = arith.constant 0 : i32
    %dma_start3A_817 = arith.constant 0 : i32
    %dma_start3A_818 = tpu.memref_slice %dma_start3A_815[%dma_start3A_816, %dma_start3A_817] : memref<4096x128xf32, #tpu.memory_space<hbm>> -> memref<4096x128xf32, #tpu.memory_space<hbm>>
    tpu.enqueue_indirect_dma source(%dma_start3A_818 : memref<4096x128xf32, #tpu.memory_space<hbm>>) target(%arg15 : memref<128x128xf32, #tpu.memory_space<vmem>>) offsets(%arg9 : memref<128xi32, #tpu.memory_space<vmem>>) semaphore(%arg20 : memref<!tpu.dma_semaphore, #tpu.memory_space<semaphore_mem>>)
    %dma_wait3A_819 = arith.constant 45056 : i32
    %dma_wait3A_820 = arith.constant 0 : i32
    %dma_wait3A_821 = tpu.memref_slice %arg3[%dma_wait3A_819, %dma_wait3A_820] : memref<65536x128xf32, #tpu.memory_space<hbm>> -> memref<4096x128xf32, #tpu.memory_space<hbm>>
    %dma_wait3A_822 = arith.constant 0 : i32
    %dma_wait3A_823 = arith.constant 0 : i32
    %dma_wait3A_824 = tpu.memref_slice %dma_wait3A_821[%dma_wait3A_822, %dma_wait3A_823] : memref<4096x128xf32, #tpu.memory_space<hbm>> -> memref<4096x128xf32, #tpu.memory_space<hbm>>
    tpu.wait_indirect_dma semaphore(%arg18 : memref<!tpu.dma_semaphore, #tpu.memory_space<semaphore_mem>>) src(%dma_wait3A_824 : memref<4096x128xf32, #tpu.memory_space<hbm>>) dst(%arg13 : memref<128x128xf32, #tpu.memory_space<vmem>>)
    %add3A_825 = arith.constant 110592 : i32
    %add3A_826 = arith.addi %add3A_825, %mul3A_2 : i32
    %dma_start3A_827 = arith.constant 0 : i32
    %dma_start3A_828 = tpu.memref_slice %arg6[%add3A_826, %dma_start3A_827] : memref<131072x128xf32, #tpu.memory_space<hbm>> -> memref<128x128xf32, #tpu.memory_space<hbm>>
    %dma_start3A_829 = arith.constant 0 : i32
    %dma_start3A_830 = tpu.memref_slice %arg6[%add3A_826, %dma_start3A_829] : memref<131072x128xf32, #tpu.memory_space<hbm>> -> memref<128x128xf32, #tpu.memory_space<hbm>>
    tpu.enqueue_dma source(%arg13 : memref<128x128xf32, #tpu.memory_space<vmem>>) target(%dma_start3A_830 : memref<128x128xf32, #tpu.memory_space<hbm>>) target_semaphore(%arg23 : memref<!tpu.dma_semaphore, #tpu.memory_space<semaphore_mem>>)
    %add3A_831 = arith.constant 102400 : i32
    %add3A_832 = arith.addi %add3A_831, %mul3A_2 : i32
    %dma_wait3A_833 = arith.constant 0 : i32
    %dma_wait3A_834 = tpu.memref_slice %arg6[%add3A_832, %dma_wait3A_833] : memref<131072x128xf32, #tpu.memory_space<hbm>> -> memref<128x128xf32, #tpu.memory_space<hbm>>
    %dma_wait3A_835 = arith.constant 0 : i32
    %dma_wait3A_836 = tpu.memref_slice %arg6[%add3A_832, %dma_wait3A_835] : memref<131072x128xf32, #tpu.memory_space<hbm>> -> memref<128x128xf32, #tpu.memory_space<hbm>>
    tpu.wait_dma2 semaphore(%arg21 : memref<!tpu.dma_semaphore, #tpu.memory_space<semaphore_mem>>) src(%arg11 : memref<128x128xf32, #tpu.memory_space<vmem>>) dst(%dma_wait3A_836 : memref<128x128xf32, #tpu.memory_space<hbm>>)
    %dma_start3A_837 = arith.constant 57344 : i32
    %dma_start3A_838 = arith.constant 0 : i32
    %dma_start3A_839 = tpu.memref_slice %arg3[%dma_start3A_837, %dma_start3A_838] : memref<65536x128xf32, #tpu.memory_space<hbm>> -> memref<4096x128xf32, #tpu.memory_space<hbm>>
    %dma_start3A_840 = arith.constant 0 : i32
    %dma_start3A_841 = arith.constant 0 : i32
    %dma_start3A_842 = tpu.memref_slice %dma_start3A_839[%dma_start3A_840, %dma_start3A_841] : memref<4096x128xf32, #tpu.memory_space<hbm>> -> memref<4096x128xf32, #tpu.memory_space<hbm>>
    tpu.enqueue_indirect_dma source(%dma_start3A_842 : memref<4096x128xf32, #tpu.memory_space<hbm>>) target(%arg11 : memref<128x128xf32, #tpu.memory_space<vmem>>) offsets(%arg9 : memref<128xi32, #tpu.memory_space<vmem>>) semaphore(%arg16 : memref<!tpu.dma_semaphore, #tpu.memory_space<semaphore_mem>>)
    %dma_wait3A_843 = arith.constant 49152 : i32
    %dma_wait3A_844 = arith.constant 0 : i32
    %dma_wait3A_845 = tpu.memref_slice %arg3[%dma_wait3A_843, %dma_wait3A_844] : memref<65536x128xf32, #tpu.memory_space<hbm>> -> memref<4096x128xf32, #tpu.memory_space<hbm>>
    %dma_wait3A_846 = arith.constant 0 : i32
    %dma_wait3A_847 = arith.constant 0 : i32
    %dma_wait3A_848 = tpu.memref_slice %dma_wait3A_845[%dma_wait3A_846, %dma_wait3A_847] : memref<4096x128xf32, #tpu.memory_space<hbm>> -> memref<4096x128xf32, #tpu.memory_space<hbm>>
    tpu.wait_indirect_dma semaphore(%arg19 : memref<!tpu.dma_semaphore, #tpu.memory_space<semaphore_mem>>) src(%dma_wait3A_848 : memref<4096x128xf32, #tpu.memory_space<hbm>>) dst(%arg14 : memref<128x128xf32, #tpu.memory_space<vmem>>)
    %add3A_849 = arith.constant 114688 : i32
    %add3A_850 = arith.addi %add3A_849, %mul3A_2 : i32
    %dma_start3A_851 = arith.constant 0 : i32
    %dma_start3A_852 = tpu.memref_slice %arg6[%add3A_850, %dma_start3A_851] : memref<131072x128xf32, #tpu.memory_space<hbm>> -> memref<128x128xf32, #tpu.memory_space<hbm>>
    %dma_start3A_853 = arith.constant 0 : i32
    %dma_start3A_854 = tpu.memref_slice %arg6[%add3A_850, %dma_start3A_853] : memref<131072x128xf32, #tpu.memory_space<hbm>> -> memref<128x128xf32, #tpu.memory_space<hbm>>
    tpu.enqueue_dma source(%arg14 : memref<128x128xf32, #tpu.memory_space<vmem>>) target(%dma_start3A_854 : memref<128x128xf32, #tpu.memory_space<hbm>>) target_semaphore(%arg24 : memref<!tpu.dma_semaphore, #tpu.memory_space<semaphore_mem>>)
    %add3A_855 = arith.constant 106496 : i32
    %add3A_856 = arith.addi %add3A_855, %mul3A_2 : i32
    %dma_wait3A_857 = arith.constant 0 : i32
    %dma_wait3A_858 = tpu.memref_slice %arg6[%add3A_856, %dma_wait3A_857] : memref<131072x128xf32, #tpu.memory_space<hbm>> -> memref<128x128xf32, #tpu.memory_space<hbm>>
    %dma_wait3A_859 = arith.constant 0 : i32
    %dma_wait3A_860 = tpu.memref_slice %arg6[%add3A_856, %dma_wait3A_859] : memref<131072x128xf32, #tpu.memory_space<hbm>> -> memref<128x128xf32, #tpu.memory_space<hbm>>
    tpu.wait_dma2 semaphore(%arg22 : memref<!tpu.dma_semaphore, #tpu.memory_space<semaphore_mem>>) src(%arg12 : memref<128x128xf32, #tpu.memory_space<vmem>>) dst(%dma_wait3A_860 : memref<128x128xf32, #tpu.memory_space<hbm>>)
    %dma_start3A_861 = arith.constant 61440 : i32
    %dma_start3A_862 = arith.constant 0 : i32
    %dma_start3A_863 = tpu.memref_slice %arg3[%dma_start3A_861, %dma_start3A_862] : memref<65536x128xf32, #tpu.memory_space<hbm>> -> memref<4096x128xf32, #tpu.memory_space<hbm>>
    %dma_start3A_864 = arith.constant 0 : i32
    %dma_start3A_865 = arith.constant 0 : i32
    %dma_start3A_866 = tpu.memref_slice %dma_start3A_863[%dma_start3A_864, %dma_start3A_865] : memref<4096x128xf32, #tpu.memory_space<hbm>> -> memref<4096x128xf32, #tpu.memory_space<hbm>>
    tpu.enqueue_indirect_dma source(%dma_start3A_866 : memref<4096x128xf32, #tpu.memory_space<hbm>>) target(%arg12 : memref<128x128xf32, #tpu.memory_space<vmem>>) offsets(%arg9 : memref<128xi32, #tpu.memory_space<vmem>>) semaphore(%arg17 : memref<!tpu.dma_semaphore, #tpu.memory_space<semaphore_mem>>)
    %dma_wait3A_867 = arith.constant 53248 : i32
    %dma_wait3A_868 = arith.constant 0 : i32
    %dma_wait3A_869 = tpu.memref_slice %arg3[%dma_wait3A_867, %dma_wait3A_868] : memref<65536x128xf32, #tpu.memory_space<hbm>> -> memref<4096x128xf32, #tpu.memory_space<hbm>>
    %dma_wait3A_870 = arith.constant 0 : i32
    %dma_wait3A_871 = arith.constant 0 : i32
    %dma_wait3A_872 = tpu.memref_slice %dma_wait3A_869[%dma_wait3A_870, %dma_wait3A_871] : memref<4096x128xf32, #tpu.memory_space<hbm>> -> memref<4096x128xf32, #tpu.memory_space<hbm>>
    tpu.wait_indirect_dma semaphore(%arg20 : memref<!tpu.dma_semaphore, #tpu.memory_space<semaphore_mem>>) src(%dma_wait3A_872 : memref<4096x128xf32, #tpu.memory_space<hbm>>) dst(%arg15 : memref<128x128xf32, #tpu.memory_space<vmem>>)
    %add3A_873 = arith.constant 118784 : i32
    %add3A_874 = arith.addi %add3A_873, %mul3A_2 : i32
    %dma_start3A_875 = arith.constant 0 : i32
    %dma_start3A_876 = tpu.memref_slice %arg6[%add3A_874, %dma_start3A_875] : memref<131072x128xf32, #tpu.memory_space<hbm>> -> memref<128x128xf32, #tpu.memory_space<hbm>>
    %dma_start3A_877 = arith.constant 0 : i32
    %dma_start3A_878 = tpu.memref_slice %arg6[%add3A_874, %dma_start3A_877] : memref<131072x128xf32, #tpu.memory_space<hbm>> -> memref<128x128xf32, #tpu.memory_space<hbm>>
    tpu.enqueue_dma source(%arg15 : memref<128x128xf32, #tpu.memory_space<vmem>>) target(%dma_start3A_878 : memref<128x128xf32, #tpu.memory_space<hbm>>) target_semaphore(%arg25 : memref<!tpu.dma_semaphore, #tpu.memory_space<semaphore_mem>>)
    %dma_wait3A_879 = arith.constant 57344 : i32
    %dma_wait3A_880 = arith.constant 0 : i32
    %dma_wait3A_881 = tpu.memref_slice %arg3[%dma_wait3A_879, %dma_wait3A_880] : memref<65536x128xf32, #tpu.memory_space<hbm>> -> memref<4096x128xf32, #tpu.memory_space<hbm>>
    %dma_wait3A_882 = arith.constant 0 : i32
    %dma_wait3A_883 = arith.constant 0 : i32
    %dma_wait3A_884 = tpu.memref_slice %dma_wait3A_881[%dma_wait3A_882, %dma_wait3A_883] : memref<4096x128xf32, #tpu.memory_space<hbm>> -> memref<4096x128xf32, #tpu.memory_space<hbm>>
    tpu.wait_indirect_dma semaphore(%arg16 : memref<!tpu.dma_semaphore, #tpu.memory_space<semaphore_mem>>) src(%dma_wait3A_884 : memref<4096x128xf32, #tpu.memory_space<hbm>>) dst(%arg11 : memref<128x128xf32, #tpu.memory_space<vmem>>)
    %add3A_885 = arith.constant 122880 : i32
    %add3A_886 = arith.addi %add3A_885, %mul3A_2 : i32
    %dma_start3A_887 = arith.constant 0 : i32
    %dma_start3A_888 = tpu.memref_slice %arg6[%add3A_886, %dma_start3A_887] : memref<131072x128xf32, #tpu.memory_space<hbm>> -> memref<128x128xf32, #tpu.memory_space<hbm>>
    %dma_start3A_889 = arith.constant 0 : i32
    %dma_start3A_890 = tpu.memref_slice %arg6[%add3A_886, %dma_start3A_889] : memref<131072x128xf32, #tpu.memory_space<hbm>> -> memref<128x128xf32, #tpu.memory_space<hbm>>
    tpu.enqueue_dma source(%arg11 : memref<128x128xf32, #tpu.memory_space<vmem>>) target(%dma_start3A_890 : memref<128x128xf32, #tpu.memory_space<hbm>>) target_semaphore(%arg21 : memref<!tpu.dma_semaphore, #tpu.memory_space<semaphore_mem>>)
    %dma_wait3A_891 = arith.constant 61440 : i32
    %dma_wait3A_892 = arith.constant 0 : i32
    %dma_wait3A_893 = tpu.memref_slice %arg3[%dma_wait3A_891, %dma_wait3A_892] : memref<65536x128xf32, #tpu.memory_space<hbm>> -> memref<4096x128xf32, #tpu.memory_space<hbm>>
    %dma_wait3A_894 = arith.constant 0 : i32
    %dma_wait3A_895 = arith.constant 0 : i32
    %dma_wait3A_896 = tpu.memref_slice %dma_wait3A_893[%dma_wait3A_894, %dma_wait3A_895] : memref<4096x128xf32, #tpu.memory_space<hbm>> -> memref<4096x128xf32, #tpu.memory_space<hbm>>
    tpu.wait_indirect_dma semaphore(%arg17 : memref<!tpu.dma_semaphore, #tpu.memory_space<semaphore_mem>>) src(%dma_wait3A_896 : memref<4096x128xf32, #tpu.memory_space<hbm>>) dst(%arg12 : memref<128x128xf32, #tpu.memory_space<vmem>>)
    %add3A_897 = arith.constant 126976 : i32
    %add3A_898 = arith.addi %add3A_897, %mul3A_2 : i32
    %dma_start3A_899 = arith.constant 0 : i32
    %dma_start3A_900 = tpu.memref_slice %arg6[%add3A_898, %dma_start3A_899] : memref<131072x128xf32, #tpu.memory_space<hbm>> -> memref<128x128xf32, #tpu.memory_space<hbm>>
    %dma_start3A_901 = arith.constant 0 : i32
    %dma_start3A_902 = tpu.memref_slice %arg6[%add3A_898, %dma_start3A_901] : memref<131072x128xf32, #tpu.memory_space<hbm>> -> memref<128x128xf32, #tpu.memory_space<hbm>>
    tpu.enqueue_dma source(%arg12 : memref<128x128xf32, #tpu.memory_space<vmem>>) target(%dma_start3A_902 : memref<128x128xf32, #tpu.memory_space<hbm>>) target_semaphore(%arg22 : memref<!tpu.dma_semaphore, #tpu.memory_space<semaphore_mem>>)
    %add3A_903 = arith.constant 110592 : i32
    %add3A_904 = arith.addi %add3A_903, %mul3A_2 : i32
    %dma_wait3A_905 = arith.constant 0 : i32
    %dma_wait3A_906 = tpu.memref_slice %arg6[%add3A_904, %dma_wait3A_905] : memref<131072x128xf32, #tpu.memory_space<hbm>> -> memref<128x128xf32, #tpu.memory_space<hbm>>
    %dma_wait3A_907 = arith.constant 0 : i32
    %dma_wait3A_908 = tpu.memref_slice %arg6[%add3A_904, %dma_wait3A_907] : memref<131072x128xf32, #tpu.memory_space<hbm>> -> memref<128x128xf32, #tpu.memory_space<hbm>>
    tpu.wait_dma2 semaphore(%arg23 : memref<!tpu.dma_semaphore, #tpu.memory_space<semaphore_mem>>) src(%arg13 : memref<128x128xf32, #tpu.memory_space<vmem>>) dst(%dma_wait3A_908 : memref<128x128xf32, #tpu.memory_space<hbm>>)
    %add3A_909 = arith.constant 114688 : i32
    %add3A_910 = arith.addi %add3A_909, %mul3A_2 : i32
    %dma_wait3A_911 = arith.constant 0 : i32
    %dma_wait3A_912 = tpu.memref_slice %arg6[%add3A_910, %dma_wait3A_911] : memref<131072x128xf32, #tpu.memory_space<hbm>> -> memref<128x128xf32, #tpu.memory_space<hbm>>
    %dma_wait3A_913 = arith.constant 0 : i32
    %dma_wait3A_914 = tpu.memref_slice %arg6[%add3A_910, %dma_wait3A_913] : memref<131072x128xf32, #tpu.memory_space<hbm>> -> memref<128x128xf32, #tpu.memory_space<hbm>>
    tpu.wait_dma2 semaphore(%arg24 : memref<!tpu.dma_semaphore, #tpu.memory_space<semaphore_mem>>) src(%arg14 : memref<128x128xf32, #tpu.memory_space<vmem>>) dst(%dma_wait3A_914 : memref<128x128xf32, #tpu.memory_space<hbm>>)
    %add3A_915 = arith.constant 118784 : i32
    %add3A_916 = arith.addi %add3A_915, %mul3A_2 : i32
    %dma_wait3A_917 = arith.constant 0 : i32
    %dma_wait3A_918 = tpu.memref_slice %arg6[%add3A_916, %dma_wait3A_917] : memref<131072x128xf32, #tpu.memory_space<hbm>> -> memref<128x128xf32, #tpu.memory_space<hbm>>
    %dma_wait3A_919 = arith.constant 0 : i32
    %dma_wait3A_920 = tpu.memref_slice %arg6[%add3A_916, %dma_wait3A_919] : memref<131072x128xf32, #tpu.memory_space<hbm>> -> memref<128x128xf32, #tpu.memory_space<hbm>>
    tpu.wait_dma2 semaphore(%arg25 : memref<!tpu.dma_semaphore, #tpu.memory_space<semaphore_mem>>) src(%arg15 : memref<128x128xf32, #tpu.memory_space<vmem>>) dst(%dma_wait3A_920 : memref<128x128xf32, #tpu.memory_space<hbm>>)
    %add3A_921 = arith.constant 122880 : i32
    %add3A_922 = arith.addi %add3A_921, %mul3A_2 : i32
    %dma_wait3A_923 = arith.constant 0 : i32
    %dma_wait3A_924 = tpu.memref_slice %arg6[%add3A_922, %dma_wait3A_923] : memref<131072x128xf32, #tpu.memory_space<hbm>> -> memref<128x128xf32, #tpu.memory_space<hbm>>
    %dma_wait3A_925 = arith.constant 0 : i32
    %dma_wait3A_926 = tpu.memref_slice %arg6[%add3A_922, %dma_wait3A_925] : memref<131072x128xf32, #tpu.memory_space<hbm>> -> memref<128x128xf32, #tpu.memory_space<hbm>>
    tpu.wait_dma2 semaphore(%arg21 : memref<!tpu.dma_semaphore, #tpu.memory_space<semaphore_mem>>) src(%arg11 : memref<128x128xf32, #tpu.memory_space<vmem>>) dst(%dma_wait3A_926 : memref<128x128xf32, #tpu.memory_space<hbm>>)
    %add3A_927 = arith.constant 126976 : i32
    %add3A_928 = arith.addi %add3A_927, %mul3A_2 : i32
    %dma_wait3A_929 = arith.constant 0 : i32
    %dma_wait3A_930 = tpu.memref_slice %arg6[%add3A_928, %dma_wait3A_929] : memref<131072x128xf32, #tpu.memory_space<hbm>> -> memref<128x128xf32, #tpu.memory_space<hbm>>
    %dma_wait3A_931 = arith.constant 0 : i32
    %dma_wait3A_932 = tpu.memref_slice %arg6[%add3A_928, %dma_wait3A_931] : memref<131072x128xf32, #tpu.memory_space<hbm>> -> memref<128x128xf32, #tpu.memory_space<hbm>>
    tpu.wait_dma2 semaphore(%arg22 : memref<!tpu.dma_semaphore, #tpu.memory_space<semaphore_mem>>) src(%arg12 : memref<128x128xf32, #tpu.memory_space<vmem>>) dst(%dma_wait3A_932 : memref<128x128xf32, #tpu.memory_space<hbm>>)
    return
  }
}

</mosaic_0001>

<sc_bundles>
// kernel: kernel.3.cloned.1.call-start
scs
__scs_entry_jumppad:
0x0: {  	(pc) =	sbr.rel $0x88, $3  }
0x1: {  	(tag) =	ssettag $0x0;
	lr =	simm.s32 $0x1  }
0x2: {  	[smem:$0x3F9D] =	sst lr;
	_ =	strace $0xD0000000  }
0x3: {  	_ = 	snop  }
0x4: {  	_ = 	snop  }
0x5: {  	_ = 	snop  }
0x6: {  	_ = 	snop  }
0x7: {  	_ = 	snop  }
__scs_overlays_trampoline_lowered:
0x8: {  	[smem:$0x3FAC] =	sst s0  }
0x9: {  	[smem:$0x3FAD] =	sst s1  }
0xa: {  	[smem:$0x3FAE] =	sst s2  }
0xb: {  	[smem:$0x3FAF] =	sst s3  }
0xc: {  	[smem:$0x3FB0] =	sst s4  }
0xd: {  	[smem:$0x3FB1] =	sst s5  }
0xe: {  	[smem:$0x3FB2] =	sst s6  }
0xf: {  	[smem:$0x3FB3] =	sst s7  }
0x10: {  	[smem:$0x3FB4] =	sst s8  }
0x11: {  	[smem:$0x3FB5] =	sst s9;
	s0 =	simm.s32 @!p0 $0x0  }
0x12: {  	s1 =	sld [smem:$0x3F9B];
	s0 =	simm.s32 @p0 $0x1  }
0x13: {  	[smem:$0x3FB6] =	sst s0;
	s0 =	simm.s32 @!p1 $0x0  }
0x14: {  	s2 =	sld [smem:$0x3F9A];
	s0 =	simm.s32 @p1 $0x1  }
0x15: {  	[smem:$0x3FB7] =	sst s0;
	s0 =	simm.s32 @!p2 $0x0  }
0x16: {  	s3 =	sld [smem:$0x3FDB];
	s0 =	simm.s32 @p2 $0x1  }
0x17: {  	s4 =	simm.s32 $0x1BF5;
	[smem:$0x3FB9] =	sst s0  }
0x18: {  	s0 =	sld [smem:$0x3F9C];
	_ =	swait.ge [sflag:s4], $0x0  }
0x19: {  	s7 =	sld [smem:$0x3F9D]  }
0x1a: {  	s8 =	sadd.s32 $0xFFFFE003, lr  }
0x1b: {  	s9 =	sadd.s32 $0xFFFFFEF7, lr;
	s5 =	simm.s32 $0xFFFFFFFF;
	p2 =	slt.u32 s8, $0xFFFFF086  }
0x1c: {  	p1 =	slt.u32 s9, $0xF7A;
	s5 =	simm.s32 @!p2 $0x0  }
0x1d: {  	s5 =	simm.s32 @p1 $0x1;
	p0 =	seq.s32 s7, s2  }
0x1e: {  	s7 =	smul.u32 @!p0 $0xF7A, s2;
	p2 =	seq.s32 @!p0 s5, $0x0  }
0x1f: {  	s9 =	smul.u32 $0xF7A, s1;
	s8 =	simm.s32 @!p0 $0x1BF5;
	p2 =	por !p2, p0  }
0x20: {  	[sflag:s8] =	ssyncset.s32 @!p0 $0xFFFFF086;
	s6 =	sadd.s32 @!p0 s3, s7;
	s7 =	simm.s32 @!p0 $0x108  }
0x21: {  	s3 =	sadd.s32 s3, s9;
	s6 =	sadd.s32 @!p0 $0x88, s6;
	s7 =	simm.s32 @p2 $0x1082  }
0x22: {  	[simem:s7], [sflag:s8] =	dma.local @!p0 [hbm:s6], $0xF7A  }
0x23: {  	s9 =	sor.u32 $0xD0000000, s2;
	s6 =	simm.s32 $0x108;
	_ =	swait.ge @!p0 [sflag:s8], $0x0  }
0x24: {  	s3 =	sadd.s32 $0x88, s3;
	s6 =	simm.s32 @!p1 $0x1082;
	[sflag:s4] =	ssyncset.s32 $0xFFFFF086  }
0x25: {  	[simem:s6], [sflag:s4] =	dma.local [hbm:s3], $0xF7A  }
0x26: {  	[smem:$0x3F9D] =	sst s1;
	(tag) =	ssettag s2;
	_ =	strace s9  }
0x27: {  	s1 =	sld [smem:$0x3FAD]  }
0x28: {  	s2 =	sld [smem:$0x3FAE]  }
0x29: {  	s4 =	sld [smem:$0x3FB0]  }
0x2a: {  	p0 =	seq.s32 s5, $0x0;
	s5 =	sld [smem:$0x3FB1]  }
0x2b: {  	s6 =	sld [smem:$0x3FB2]  }
0x2c: {  	s7 =	sld [smem:$0x3FB3]  }
0x2d: {  	s3 =	simm.s32 $0x108;
	s8 =	sld [smem:$0x3FB4]  }
0x2e: {  	s3 =	simm.s32 @!p0 $0x1082;
	s9 =	sld [smem:$0x3FB5]  }
0x2f: {  	lr =	sadd.s32 s0, s3;
	s0 =	sld [smem:$0x3FAC]  }
0x30: {  	s3 =	sld [smem:$0x3FAF]  }
0x31: {  	[smem:$0x3FB8] =	sst s10  }
0x32: {  	s10 =	sld [smem:$0x3FB6];
	_ =	sdelay $0x3  }
0x33: {  	p0 =	seq.s32 s10, $0x1;
	s10 =	sld [smem:$0x3FB8];
	_ =	sdelay $0x3  }
0x34: {  	[smem:$0x3FB8] =	sst s10  }
0x35: {  	s10 =	sld [smem:$0x3FB7];
	_ =	sdelay $0x3  }
0x36: {  	p1 =	seq.s32 s10, $0x1;
	s10 =	sld [smem:$0x3FB8];
	_ =	sdelay $0x3  }
0x37: {  	[smem:$0x3FB8] =	sst s10  }
0x38: {  	s10 =	sld [smem:$0x3FB9]  }
0x39: {  	_ = 	snop;
	(pc) =	sbr.ind lr, $3  }
0x3a: {  	_ = 	snop  }
0x3b: {  	_ = 	snop  }
0x3c: {  	p2 =	seq.s32 s10, $0x1;
	s10 =	sld [smem:$0x3FB8]  }
0x3d: {  	_ =	shalt  }
0x3e: {  	_ =	shalt  }
0x3f: {  	_ =	shalt  }
0x40: {  	_ =	shalt  }
0x41: {  	_ =	shalt  }
0x42: {  	_ =	shalt  }
0x43: {  	_ =	shalt  }
0x44: {  	_ =	shalt  }
0x45: {  	_ =	shalt  }
0x46: {  	_ =	shalt  }
0x47: {  	_ =	shalt  }
0x48: {  	_ =	shalt  }
0x49: {  	_ =	shalt  }
0x4a: {  	_ =	shalt  }
0x4b: {  	_ =	shalt  }
0x4c: {  	_ =	shalt  }
0x4d: {  	_ =	shalt  }
0x4e: {  	_ =	shalt  }
0x4f: {  	_ =	shalt  }
0x50: {  	_ =	shalt  }
0x51: {  	_ =	shalt  }
0x52: {  	_ =	shalt  }
0x53: {  	_ =	shalt  }
0x54: {  	_ =	shalt  }
0x55: {  	_ =	shalt  }
0x56: {  	_ =	shalt  }
0x57: {  	_ =	shalt  }
0x58: {  	_ =	shalt  }
0x59: {  	_ =	shalt  }
0x5a: {  	_ =	shalt  }
0x5b: {  	_ =	shalt  }
0x5c: {  	_ =	shalt  }
0x5d: {  	_ =	shalt  }
0x5e: {  	_ =	shalt  }
0x5f: {  	_ =	shalt  }
0x60: {  	_ =	shalt  }
0x61: {  	_ =	shalt  }
0x62: {  	_ =	shalt  }
0x63: {  	_ =	shalt  }
0x64: {  	_ =	shalt  }
0x65: {  	_ =	shalt  }
0x66: {  	_ =	shalt  }
0x67: {  	_ =	shalt  }
0x68: {  	_ =	shalt  }
0x69: {  	_ =	shalt  }
0x6a: {  	_ =	shalt  }
0x6b: {  	_ =	shalt  }
0x6c: {  	_ =	shalt  }
0x6d: {  	_ =	shalt  }
0x6e: {  	_ =	shalt  }
0x6f: {  	_ =	shalt  }
0x70: {  	_ =	shalt  }
0x71: {  	_ =	shalt  }
0x72: {  	_ =	shalt  }
0x73: {  	_ =	shalt  }
0x74: {  	_ =	shalt  }
0x75: {  	_ =	shalt  }
0x76: {  	_ =	shalt  }
0x77: {  	_ =	shalt  }
0x78: {  	_ =	shalt  }
0x79: {  	_ =	shalt  }
0x7a: {  	_ =	shalt  }
0x7b: {  	_ =	shalt  }
0x7c: {  	_ =	shalt  }
0x7d: {  	_ =	shalt  }
0x7e: {  	_ =	shalt  }
0x7f: {  	_ =	shalt  }
0x80: {  	_ =	shalt  }
0x81: {  	_ =	shalt  }
0x82: {  	_ =	shalt  }
0x83: {  	_ =	shalt  }
0x84: {  	_ =	shalt  }
0x85: {  	_ =	shalt  }
0x86: {  	_ =	shalt  }
0x87: {  	_ =	shalt  }
.Lfunc_end0:
.L_simem_size_0:
called_computation_lowered:
.L_overlay_start_0:
0x88: {  	s2 =	sld [smem:$0x3FD9]  }
0x89: {  	s3 =	sld [smem:$0x3FFE];
	_ =	sdelay $0x1  }
0x8a: {  	s1 =	srdreg.scid  }
0x8b: {  	s0 =	sand.u32 $0x1, s1  }
0x8c: {  	s18 =	sshll.u32 s0, $0xA;
	s2 =	sadd.s32 s3, s2  }
0x8d: {  	s2 =	sadd.s32 s2, s18  }
0x8e: {  	[smem:$0x3FC4] =	sst s2  }
0x8f: {  	_ = 	snop  }
0x90: {  	s2 =	sld [smem:$0x3FC9]  }
0x91: {  	s19 =	sld [smem:$0x3FC8]  }
0x92: {  	s4 =	sld [smem:$0x3FC7]  }
0x93: {  	s5 =	sld [smem:$0x3FC6]  }
0x94: {  	s6 =	sld [smem:$0x3FD0];
	(tm) =	ssettm $0x1  }
0x95: {  	s7 =	sld [smem:$0x3FFB];
	_ =	sdelay $0x3  }
0x96: {  	_ =	strace s7  }
0x97: {  	s7 =	sld [smem:$0x3FFC];
	_ =	sdelay $0x3  }
0x98: {  	_ =	strace s7  }
0x99: {  	s7 =	sld [smem:$0x3FFD];
	_ =	sdelay $0x3  }
0x9a: {  	_ =	strace s7  }
0x9b: {  	_ =	strace $0x8FFFFFFF  }
0x9c: {  	s20 =	sld [smem:$0x3FDB];
	_ =	sdelay $0x1  }
0x9d: {  	s8 =	simm.s32 $_scs_section_size  }
0x9e: {  	s9 =	simm.s32 $_size__tile_overlayer_lowered;
	s10 =	simm.s32 $_tile_overlayer_lowered  }
0x9f: {  	s23 =	simm.s32 $0x1BFF;
	s22 =	sshll.u32 s10, $0x1;
	s7 =	sadd.s32 s8, s20  }
0xa0: {  	s11 =	simm.s32 $0x0;
	s21 =	sshll.u32 s9, $0x1;
	s9 =	sadd.s32 s22, s7  }
0xa1: {  	[timem:s11], [sflag:s23] =	dma.local [hbm:s9], s21  }
0xa2: {  	_ =	swait.ge [sflag:s23], s21  }
0xa3: {  	s8 =	ssub.s32 $0x0, s21;
	[sflag:s23] =	ssyncset.done $0x0  }
0xa4: {  	[sflag:s23] =	ssyncadd.s32 s8;
	_ =	sdelay $0x1  }
0xa5: {  	s24 =	simm.s32 $0x1B8B  }
0xa6: {  	_ =	swait.ge [sflag:s24], $0x1  }
0xa7: {  	[sflag:s24] =	ssyncset.done $0x0  }
0xa8: {  	s25 =	simm.s32 $0x1B8E;
	[sflag:s24] =	ssyncadd.s32 $0xFFFFFFFF  }
0xa9: {  	s26 =	simm.s32 $execute0_lowered;
	[smem:$0x3FD2] =	sst s25  }
0xaa: {  	s8 =	sshll.u32 s26, $0x1;
	_ =	strace $0x80000046;
	[dreg:$0x1] =	wrdreg $0xFFFFFFFF  }
0xab: {  	s28 =	simm.s32 $_size_execute0_lowered;
	s7 =	sadd.s32 s7, s8;
	[dreg:$0x0] =	wrdreg $0x0  }
0xac: {  	s8 =	sshll.u32 s28, $0x1;
	[dreg:$0x2] =	wrdreg s7  }
0xad: {  	[dreg:$0x3] =	wrdreg s8  }
0xae: {  	[dreg:$0x4] =	wrdreg $0xC0  }
0xaf: {  	_ =	task [dreg:s11], $0x5FFFF  }
0xb0: {  	[dreg:$0x1] =	wrdreg $0xFFFFFFFF  }
0xb1: {  	[dreg:$0x0] =	wrdreg $0x60  }
0xb2: {  	[dreg:$0x2] =	wrdreg s4  }
0xb3: {  	[dreg:$0x3] =	wrdreg s5  }
0xb4: {  	[dreg:$0x4] =	wrdreg s19  }
0xb5: {  	[dreg:$0x5] =	wrdreg s2  }
0xb6: {  	[dreg:$0x6] =	wrdreg s6  }
0xb7: {  	[dreg:$0x7] =	wrdreg $0x9  }
0xb8: {  	_ =	task.clear_ibuf [dreg:s11], $0x8FFFF;
	_ =	strace $0x90000046  }
0xb9: {  	s29 =	simm.s32 $0x9;
	_ =	strace $0x80000048  }
0xba: {  	_ =	swait.ge [sflag:s29], $0x1  }
0xbb: {  	[sflag:s29] =	ssyncadd.s32 $0xFFFFFFFF  }
0xbc: {  	_ =	strace $0x90000048  }
0xbd: {  	_ =	sfence  }
0xbe: {  	s30 =	sld [smem:$0x0];
	_ =	sdelay $0x2  }
0xbf: {  	s31 =	sshll.u32 s1, $0xD;
	s1 =	sshrl.u32 s1, $0x2  }
0xc0: {  	s3 =	sand.u32 $0x4000, s31;
	s1 =	sadd.s32 s1, s30  }
0xc1: {  	s0 =	sor.u32 s3, s0;
	s1 =	sshll.u32 s1, $0x11  }
0xc2: {  	s0 =	sor.u32 s1, s0  }
0xc3: {  	s0 =	sadd.s32 $0x8F2B, s0  }
0xc4: {  	[sflag:s0] =	ssyncadd.remote.s32 $0x1  }
0xc5: {  	_ =	sfence.sel $0xFFFF  }
0xc6: {  	[dreg:$0x0] =	wrdreg $0xFFFFFFFF;
	(pc) =	sbr.abs _section_cstart, $3  }
0xc7: {  	[dreg:$0x1] =	wrdreg $0xFFFFFFFF  }
0xc8: {  	_ =	task.clear_ibuf [dreg:s11], $0x2FFFF;
	_ =	strace $0x9FFFFFFF  }
0xc9: {  	(tm) =	ssettm $0x7FFFFFFF  }
tec
execute0_lowered:
.L_overlay_start_1:
0x0: {  	(tag) =	ssettag $0x1  }
0x1: {  	s0 =	rddreg [dreg:$0x0]  }
0x2: {  	s1 =	rddreg [dreg:$0x1]  }
0x3: {  	s5 =	rddreg [dreg:$0x2]  }
0x4: {  	s2 =	rddreg [dreg:$0x3]  }
0x5: {  	s7 =	rddreg [dreg:$0x4]  }
0x6: {  	s4 =	simm.s32 $0x0;
	[dreg:$0x6] =	wrdreg s2  }
0x7: {  	[smem:$0x7FF] =	sst s4;
	s17 =	sadd.s32 $0x10000, s0  }
0x8: {  	s18 =	sadd.s32 $0x20000, s0;
	_ =	strace $0x80000047;
	[dreg:$0x8] =	wrdreg s17  }
0x9: {  	s20 =	sadd.s32 $0x30000, s0;
	[dreg:$0x9] =	wrdreg s18  }
0xa: {  	s22 =	sadd.s32 $0x40000, s0;
	[dreg:$0xa] =	wrdreg s20  }
0xb: {  	s24 =	sadd.s32 $0x50000, s0;
	[dreg:$0xc] =	wrdreg s22  }
0xc: {  	s26 =	sadd.s32 $0x60000, s0;
	[dreg:$0xe] =	wrdreg s24  }
0xd: {  	s10 =	sadd.s32 $0x80000, s0;
	[dreg:$0x10] =	wrdreg s26  }
0xe: {  	s3 =	srdreg.scid;
	s12 =	sadd.s32 $0x90000, s0;
	[dreg:$0x14] =	wrdreg s10  }
0xf: {  	s15 =	stileid.u32;
	s14 =	sadd.s32 $0xA0000, s0;
	[dreg:$0x16] =	wrdreg s12  }
0x10: {  	s6 =	sand.u32 $0x1, s3;
	[dreg:$0x18] =	wrdreg s14;
	s18 =	sadd.s32 $0xC0000, s0  }
0x11: {  	s16 =	sshll.u32 s15, $0x8;
	s20 =	sadd.s32 $0xD0000, s0;
	[dreg:$0x1c] =	wrdreg s18  }
0x12: {  	s8 =	sshll.u32 s6, $0x7;
	s22 =	sadd.s32 $0xE0000, s0;
	[dreg:$0x1e] =	wrdreg s20  }
0x13: {  	s24 =	sadd.s32 $0xF0000, s0;
	s3 =	sor.u32 s8, s16;
	[smem:$0x7DF] =	sst s22  }
0x14: {  	s16 =	sadd.s32 $0xB0000, s0;
	[smem:$0x7E1] =	sst s24;
	s8 =	sshrl.u32 s3, $0x3  }
0x15: {  	[dreg:$0x1a] =	wrdreg s16;
	s5 =	sadd.s32 s5, s8  }
0x16: {  	s19 =	sshll.u32 s3, $0x4;
	s8 =	sadd.s32 $0x70000, s0;
	[dreg:$0x7] =	wrdreg s5  }
0x17: {  	s5 =	sadd.s32 s7, s19;
	[dreg:$0x12] =	wrdreg s8;
	s7 =	sadd.s32 $0xB0000, s1  }
0x18: {  	s21 =	sadd.s32 $0x10000, s5;
	[smem:$0x7F8] =	sst s7  }
0x19: {  	s23 =	sadd.s32 $0x20000, s5;
	[dreg:$0xb] =	wrdreg s21  }
0x1a: {  	s25 =	sadd.s32 $0x30000, s5;
	[dreg:$0xd] =	wrdreg s23  }
0x1b: {  	s2 =	sadd.s32 $0x40000, s5;
	[dreg:$0xf] =	wrdreg s25  }
0x1c: {  	s9 =	sadd.s32 $0x50000, s5;
	[dreg:$0x11] =	wrdreg s2  }
0x1d: {  	s11 =	sadd.s32 $0x60000, s5;
	[dreg:$0x13] =	wrdreg s9  }
0x1e: {  	s13 =	sadd.s32 $0x70000, s5;
	[dreg:$0x15] =	wrdreg s11  }
0x1f: {  	s15 =	sadd.s32 $0x80000, s5;
	[dreg:$0x17] =	wrdreg s13  }
0x20: {  	s17 =	sadd.s32 $0x90000, s5;
	[dreg:$0x19] =	wrdreg s15  }
0x21: {  	s19 =	sadd.s32 $0xA0000, s5;
	[dreg:$0x1b] =	wrdreg s17  }
0x22: {  	s26 =	sadd.s32 $0xE0000, s5;
	[dreg:$0x1d] =	wrdreg s19  }
0x23: {  	s8 =	sadd.s32 $0xF0000, s5;
	[smem:$0x7E3] =	sst s26  }
0x24: {  	s6 =	ssub.s32 $0x2, s6;
	s10 =	sadd.s32 $0x100000, s5;
	[smem:$0x7E5] =	sst s8  }
0x25: {  	s24 =	sshrl.u32 s6, $0x1;
	s12 =	sadd.s32 $0x110000, s5;
	[smem:$0x7E7] =	sst s10  }
0x26: {  	s28 =	sor.u32 $0x30, s3;
	s14 =	sadd.s32 $0x120000, s5;
	[smem:$0x7E9] =	sst s12  }
0x27: {  	s29 =	sor.u32 $0x40, s3;
	s16 =	sadd.s32 $0x130000, s5;
	[smem:$0x7EB] =	sst s14  }
0x28: {  	s30 =	sor.u32 $0x50, s3;
	s18 =	sadd.s32 $0x140000, s5;
	[smem:$0x7ED] =	sst s16  }
0x29: {  	v7 =	vlaneseq.u32;
	s31 =	sor.u32 $0x60, s3;
	s20 =	sadd.s32 $0x150000, s5;
	[smem:$0x7EF] =	sst s18  }
0x2a: {  	v3 =	vor.u32 s28, v7;
	s28 =	simm.s32 $0x7;
	s22 =	sadd.s32 $0x160000, s5;
	[smem:$0x7F1] =	sst s20  }
0x2b: {  	v4 =	vor.u32 s29, v7;
	s29 =	simm.s32 $0x5;
	s21 =	sadd.s32 $0xB0000, s5;
	[smem:$0x7F3] =	sst s22  }
0x2c: {  	v5 =	vor.u32 s30, v7;
	s30 =	simm.s32 $0x8;
	s23 =	sadd.s32 $0xC0000, s5;
	[dreg:$0x1f] =	wrdreg s21  }
0x2d: {  	v6 =	vor.u32 s31, v7;
	s31 =	simm.s32 $0x9;
	s25 =	sadd.s32 $0xD0000, s5;
	[smem:$0x7E0] =	sst s23  }
0x2e: {  	s7 =	sadd.s32 $0x1C0000, s5;
	s2 =	sadd.s32 $0x10000, s1;
	[smem:$0x7E2] =	sst s25  }
0x2f: {  	s9 =	sadd.s32 $0x20000, s1;
	s11 =	sadd.s32 $0x30000, s1;
	[smem:$0x7E4] =	sst s2  }
0x30: {  	s13 =	sadd.s32 $0x40000, s1;
	s15 =	sadd.s32 $0x50000, s1;
	[smem:$0x7E6] =	sst s9  }
0x31: {  	s17 =	sadd.s32 $0x60000, s1;
	s19 =	sadd.s32 $0x70000, s1;
	[smem:$0x7E8] =	sst s11  }
0x32: {  	s12 =	ssub.s32 s6, s24;
	s26 =	sadd.s32 $0xA0000, s1;
	[smem:$0x7EA] =	sst s13  }
0x33: {  	s8 =	sadd.s32 $0x190000, s5;
	s10 =	sadd.s32 $0x1A0000, s5;
	[smem:$0x7EC] =	sst s15  }
0x34: {  	s6 =	sadd.s32 $0xE0000, s1;
	s14 =	simm.s32 $0x1;
	[smem:$0x7EE] =	sst s17  }
0x35: {  	s16 =	simm.s32 $0x500;
	s18 =	simm.s32 $0x480;
	[smem:$0x7F0] =	sst s19  }
0x36: {  	s20 =	simm.s32 $0x8500;
	s22 =	simm.s32 $0x10500;
	[smem:$0x7F6] =	sst s26  }
0x37: {  	s24 =	simm.s32 $0x3;
	s21 =	sadd.s32 $0x80000, s1;
	[smem:$0x7F9] =	sst s8  }
0x38: {  	s23 =	sadd.s32 $0x90000, s1;
	s25 =	sadd.s32 $0x170000, s5;
	[smem:$0x7FB] =	sst s10  }
0x39: {  	s2 =	sadd.s32 $0x180000, s5;
	s26 =	sor.u32 $0x20, s3;
	[smem:$0x7F2] =	sst s21  }
0x3a: {  	s9 =	sadd.s32 $0xC0000, s1;
	s11 =	sadd.s32 $0xD0000, s1;
	[smem:$0x7F4] =	sst s23  }
0x3b: {  	s13 =	sor.u32 $0x70, s3;
	s8 =	sadd.s32 $0xF0000, s1;
	[smem:$0x7F5] =	sst s25  }
0x3c: {  	s10 =	sadd.s32 $0x1E0000, s5;
	s12 =	smax.u32 s12, $0x1;
	[smem:$0x7F7] =	sst s2  }
0x3d: {  	s15 =	simm.s32 $0x2;
	s17 =	simm.s32 $0x80;
	[smem:$0x7FA] =	sst s9  }
0x3e: {  	s19 =	simm.s32 $0x4500;
	s23 =	sor.u32 $0x10, s3;
	[smem:$0x7FC] =	sst s11  }
0x3f: {  	s25 =	sadd.s32 $0x1B0000, s5;
	s9 =	sadd.s32 $0x1D0000, s5;
	s11 =	sadd.s32 $0x1F0000, s5  }
0x40: {  	v0 =	vor.u32 s3, v7;
	s21 =	simm.s32 $0xC500;
	v2 =	vor.u32 s26, v7;
	s26 =	simm.s32 $0x4;
	s3 =	simm.s32 $0xA  }
0x41: {  	[smem:$0x7FD] =	sst s25;
	v1 =	vor.u32 s23, v7;
	s23 =	simm.s32 $0x14500;
	s25 =	simm.s32 $0x6;
	v7 =	vor.u32 s13, v7  }
.LBB2_1:
0x42: {  	s2 =	rddreg [dreg:$0x6]  }
0x43: {  	[tilespmem:s4], [sflag:$0x1] =	stream.linear.gather [hbm4b:s2+s4], $0x400, $0x38;
	[tilespmem:$0x18500] =	vst v63  }
0x44: {  	s13 =	rddreg [dreg:$0x7];
	s2 =	simm.s32 $0x400  }
0x45: {  	[tilespmem:s2], [sflag:$0x2] =	stream.linear.gather [hbm4b:s13+s4], $0x80, $0x38;
	[tilespmem:$0x18500] =	vst v63  }
0x46: {  	_ =	swait.ge [sflag:s14], $0x400  }
0x47: {  	[sflag:s14] =	ssyncset.done $0x0  }
0x48: {  	[sflag:s14] =	ssyncadd.s32 $0xFFFFFC00  }
0x49: {  	_ =	swait.ge [sflag:s15], $0x80  }
0x4a: {  	[sflag:s15] =	ssyncset.done $0x0  }
0x4b: {  	[sflag:s15] =	ssyncadd.s32 $0xFFFFFF80  }
0x4c: {  	v8 =	vld [tilespmem:$0x400];
	_ =	sdelay $0x4  }
0x4d: {  	v9 =	vshrl.u32 v8, $0x4;
	_ =	sdelay $0x4  }
0x4e: {  	v9 =	vld.idx.msk [tilespmem:v9+s4+$0x0], $0xffff;
	_ =	sdelay $0x4  }
0x4f: {  	v8 =	vand.u32 $0xF, v8;
	v9 =	vshll.u32 v9, $0x4  }
0x50: {  	v8 =	vor.u32 v8, v9;
	_ =	sdelay $0x4  }
0x51: {  	[tilespmem:v8+s16+$0x0] =	vst.idx.msk $0xffff, v0  }
0x52: {  	v51 =	vld [tilespmem:$0x410];
	_ =	sdelay $0x3  }
0x53: {  	v8 =	vld.idx.msk [tilespmem:v8+s16+$0x0], $0xffff  }
0x54: {  	v10 =	vshrl.u32 v51, $0x4;
	_ =	sdelay $0x3  }
0x55: {  	[tilespmem:$0x480] =	vst v8  }
0x56: {  	v8 =	vld.idx.msk [tilespmem:v10+s4+$0x0], $0xffff;
	_ =	sdelay $0x4  }
0x57: {  	v9 =	vand.u32 $0xF, v51;
	v8 =	vshll.u32 v8, $0x4  }
0x58: {  	v8 =	vor.u32 v9, v8;
	_ =	sdelay $0x4  }
0x59: {  	[tilespmem:v8+s16+$0x0] =	vst.idx.msk $0xffff, v1  }
0x5a: {  	v52 =	vld [tilespmem:$0x420];
	_ =	sdelay $0x3  }
0x5b: {  	v8 =	vld.idx.msk [tilespmem:v8+s16+$0x0], $0xffff  }
0x5c: {  	v53 =	vshrl.u32 v52, $0x4;
	_ =	sdelay $0x3  }
0x5d: {  	[tilespmem:$0x490] =	vst v8  }
0x5e: {  	v8 =	vld.idx.msk [tilespmem:v53+s4+$0x0], $0xffff;
	_ =	sdelay $0x4  }
0x5f: {  	v9 =	vand.u32 $0xF, v52;
	v8 =	vshll.u32 v8, $0x4  }
0x60: {  	v8 =	vor.u32 v9, v8;
	_ =	sdelay $0x4  }
0x61: {  	[tilespmem:v8+s16+$0x0] =	vst.idx.msk $0xffff, v2  }
0x62: {  	v54 =	vld [tilespmem:$0x430];
	_ =	sdelay $0x3  }
0x63: {  	v8 =	vld.idx.msk [tilespmem:v8+s16+$0x0], $0xffff  }
0x64: {  	v55 =	vshrl.u32 v54, $0x4;
	_ =	sdelay $0x3  }
0x65: {  	[tilespmem:$0x4A0] =	vst v8  }
0x66: {  	v8 =	vld.idx.msk [tilespmem:v55+s4+$0x0], $0xffff;
	_ =	sdelay $0x4  }
0x67: {  	v9 =	vand.u32 $0xF, v54;
	v8 =	vshll.u32 v8, $0x4  }
0x68: {  	v8 =	vor.u32 v9, v8;
	_ =	sdelay $0x4  }
0x69: {  	[tilespmem:v8+s16+$0x0] =	vst.idx.msk $0xffff, v3  }
0x6a: {  	v56 =	vld [tilespmem:$0x440];
	_ =	sdelay $0x3  }
0x6b: {  	v8 =	vld.idx.msk [tilespmem:v8+s16+$0x0], $0xffff  }
0x6c: {  	v57 =	vshrl.u32 v56, $0x4;
	_ =	sdelay $0x3  }
0x6d: {  	[tilespmem:$0x4B0] =	vst v8  }
0x6e: {  	v8 =	vld.idx.msk [tilespmem:v57+s4+$0x0], $0xffff;
	_ =	sdelay $0x4  }
0x6f: {  	v9 =	vand.u32 $0xF, v56;
	v8 =	vshll.u32 v8, $0x4  }
0x70: {  	v8 =	vor.u32 v9, v8;
	_ =	sdelay $0x4  }
0x71: {  	[tilespmem:v8+s16+$0x0] =	vst.idx.msk $0xffff, v4  }
0x72: {  	v58 =	vld [tilespmem:$0x450];
	_ =	sdelay $0x3  }
0x73: {  	v8 =	vld.idx.msk [tilespmem:v8+s16+$0x0], $0xffff  }
0x74: {  	v59 =	vshrl.u32 v58, $0x4;
	_ =	sdelay $0x3  }
0x75: {  	[tilespmem:$0x4C0] =	vst v8  }
0x76: {  	v8 =	vld.idx.msk [tilespmem:v59+s4+$0x0], $0xffff;
	_ =	sdelay $0x4  }
0x77: {  	v9 =	vand.u32 $0xF, v58;
	v8 =	vshll.u32 v8, $0x4  }
0x78: {  	v8 =	vor.u32 v9, v8;
	_ =	sdelay $0x4  }
0x79: {  	[tilespmem:v8+s16+$0x0] =	vst.idx.msk $0xffff, v5  }
0x7a: {  	v60 =	vld [tilespmem:$0x460];
	_ =	sdelay $0x3  }
0x7b: {  	v8 =	vld.idx.msk [tilespmem:v8+s16+$0x0], $0xffff  }
0x7c: {  	v61 =	vshrl.u32 v60, $0x4;
	_ =	sdelay $0x3  }
0x7d: {  	[tilespmem:$0x4D0] =	vst v8  }
0x7e: {  	v8 =	vld.idx.msk [tilespmem:v61+s4+$0x0], $0xffff;
	_ =	sdelay $0x4  }
0x7f: {  	v9 =	vand.u32 $0xF, v60;
	v8 =	vshll.u32 v8, $0x4  }
0x80: {  	v8 =	vor.u32 v9, v8;
	_ =	sdelay $0x4  }
0x81: {  	[tilespmem:v8+s16+$0x0] =	vst.idx.msk $0xffff, v6  }
0x82: {  	v62 =	vld [tilespmem:$0x470];
	_ =	sdelay $0x3  }
0x83: {  	v8 =	vld.idx.msk [tilespmem:v8+s16+$0x0], $0xffff  }
0x84: {  	v63 =	vshrl.u32 v62, $0x4;
	_ =	sdelay $0x3  }
0x85: {  	[tilespmem:$0x4E0] =	vst v8  }
0x86: {  	v8 =	vld.idx.msk [tilespmem:v63+s4+$0x0], $0xffff;
	_ =	sdelay $0x4  }
0x87: {  	v9 =	vand.u32 $0xF, v62;
	v8 =	vshll.u32 v8, $0x4  }
0x88: {  	v8 =	vor.u32 v9, v8;
	_ =	sdelay $0x4  }
0x89: {  	[tilespmem:v8+s16+$0x0] =	vst.idx.msk $0xffff, v7  }
0x8a: {  	v8 =	vld.idx.msk [tilespmem:v8+s16+$0x0], $0xffff;
	_ =	sdelay $0x4  }
0x8b: {  	[tilespmem:$0x4F0] =	vst v8  }
0x8c: {  	[tilespmem:s19], [sflag:$0x1] =	stream.indirect.gather [hbm4b:s0+s17], $0x80, s18, s17, $0xb8;
	[tilespmem:$0x18500] =	vst v63  }
0x8d: {  	s2 =	rddreg [dreg:$0x8]  }
0x8e: {  	[tilespmem:s20], [sflag:$0x2] =	stream.indirect.gather [hbm4b:s2+s17], $0x80, s18, s17, $0xb8;
	[tilespmem:$0x18500] =	vst v63  }
0x8f: {  	s13 =	rddreg [dreg:$0x9]  }
0x90: {  	[tilespmem:s21], [sflag:$0x3] =	stream.indirect.gather [hbm4b:s13+s17], $0x80, s18, s17, $0xb8;
	[tilespmem:$0x18500] =	vst v63  }
0x91: {  	_ =	swait.ge [sflag:s14], $0x4000  }
0x92: {  	[sflag:s14] =	ssyncset.done $0x0  }
0x93: {  	[sflag:s14] =	ssyncadd.s32 $0xFFFFC000  }
0x94: {  	[hbm4b:s5+s4] =	stream.linear.scatter [tilespmem:s19], [sflag:$0x6], $0x4000, $0x38;
	[tilespmem:$0x18500] =	vst v63  }
0x95: {  	s13 =	rddreg [dreg:$0xa]  }
0x96: {  	[tilespmem:s22], [sflag:$0x4] =	stream.indirect.gather [hbm4b:s13+s17], $0x80, s18, s17, $0xb8;
	[tilespmem:$0x18500] =	vst v63  }
0x97: {  	_ =	swait.ge [sflag:s15], $0x4000  }
0x98: {  	[sflag:s15] =	ssyncset.done $0x0  }
0x99: {  	s2 =	rddreg [dreg:$0xb];
	[sflag:s15] =	ssyncadd.s32 $0xFFFFC000  }
0x9a: {  	[hbm4b:s2+s4] =	stream.linear.scatter [tilespmem:s20], [sflag:$0x7], $0x4000, $0x38;
	[tilespmem:$0x18500] =	vst v63  }
0x9b: {  	s13 =	rddreg [dreg:$0xc]  }
0x9c: {  	[tilespmem:s23], [sflag:$0x5] =	stream.indirect.gather [hbm4b:s13+s17], $0x80, s18, s17, $0xb8;
	[tilespmem:$0x18500] =	vst v63  }
0x9d: {  	_ =	swait.ge [sflag:s24], $0x4000  }
0x9e: {  	[sflag:s24] =	ssyncset.done $0x0  }
0x9f: {  	s13 =	rddreg [dreg:$0xd];
	[sflag:s24] =	ssyncadd.s32 $0xFFFFC000  }
0xa0: {  	[hbm4b:s13+s4] =	stream.linear.scatter [tilespmem:s21], [sflag:$0x8], $0x4000, $0x38;
	[tilespmem:$0x18500] =	vst v63  }
0xa1: {  	_ =	swait.ge [sflag:s25], $0x4000  }
0xa2: {  	[sflag:s25] =	ssyncset.done $0x0  }
0xa3: {  	s13 =	rddreg [dreg:$0xe];
	[sflag:s25] =	ssyncadd.s32 $0xFFFFC000  }
0xa4: {  	[tilespmem:s19], [sflag:$0x1] =	stream.indirect.gather [hbm4b:s13+s17], $0x80, s18, s17, $0xb8;
	[tilespmem:$0x18500] =	vst v63  }
0xa5: {  	_ =	swait.ge [sflag:s26], $0x4000  }
0xa6: {  	[sflag:s26] =	ssyncset.done $0x0  }
0xa7: {  	s13 =	rddreg [dreg:$0xf];
	[sflag:s26] =	ssyncadd.s32 $0xFFFFC000  }
0xa8: {  	[hbm4b:s13+s4] =	stream.linear.scatter [tilespmem:s22], [sflag:$0x9], $0x4000, $0x38;
	[tilespmem:$0x18500] =	vst v63  }
0xa9: {  	_ =	swait.ge [sflag:s28], $0x4000  }
0xaa: {  	[sflag:s28] =	ssyncset.done $0x0  }
0xab: {  	s13 =	rddreg [dreg:$0x10];
	[sflag:s28] =	ssyncadd.s32 $0xFFFFC000  }
0xac: {  	[tilespmem:s20], [sflag:$0x2] =	stream.indirect.gather [hbm4b:s13+s17], $0x80, s18, s17, $0xb8;
	[tilespmem:$0x18500] =	vst v63  }
0xad: {  	_ =	swait.ge [sflag:s29], $0x4000  }
0xae: {  	[sflag:s29] =	ssyncset.done $0x0  }
0xaf: {  	s13 =	rddreg [dreg:$0x11];
	[sflag:s29] =	ssyncadd.s32 $0xFFFFC000  }
0xb0: {  	[hbm4b:s13+s4] =	stream.linear.scatter [tilespmem:s23], [sflag:$0xA], $0x4000, $0x38;
	[tilespmem:$0x18500] =	vst v63  }
0xb1: {  	_ =	swait.ge [sflag:s30], $0x4000  }
0xb2: {  	[sflag:s30] =	ssyncset.done $0x0  }
0xb3: {  	s13 =	rddreg [dreg:$0x12];
	[sflag:s30] =	ssyncadd.s32 $0xFFFFC000  }
0xb4: {  	[tilespmem:s21], [sflag:$0x3] =	stream.indirect.gather [hbm4b:s13+s17], $0x80, s18, s17, $0xb8;
	[tilespmem:$0x18500] =	vst v63  }
0xb5: {  	_ =	swait.ge [sflag:s14], $0x4000  }
0xb6: {  	[sflag:s14] =	ssyncset.done $0x0  }
0xb7: {  	s13 =	rddreg [dreg:$0x13];
	[sflag:s14] =	ssyncadd.s32 $0xFFFFC000  }
0xb8: {  	[hbm4b:s13+s4] =	stream.linear.scatter [tilespmem:s19], [sflag:$0x6], $0x4000, $0x38;
	[tilespmem:$0x18500] =	vst v63  }
0xb9: {  	_ =	swait.ge [sflag:s31], $0x4000  }
0xba: {  	[sflag:s31] =	ssyncset.done $0x0  }
0xbb: {  	s13 =	rddreg [dreg:$0x14];
	[sflag:s31] =	ssyncadd.s32 $0xFFFFC000  }
0xbc: {  	[tilespmem:s22], [sflag:$0x4] =	stream.indirect.gather [hbm4b:s13+s17], $0x80, s18, s17, $0xb8;
	[tilespmem:$0x18500] =	vst v63  }
0xbd: {  	_ =	swait.ge [sflag:s15], $0x4000  }
0xbe: {  	[sflag:s15] =	ssyncset.done $0x0  }
0xbf: {  	s13 =	rddreg [dreg:$0x15];
	[sflag:s15] =	ssyncadd.s32 $0xFFFFC000  }
0xc0: {  	[hbm4b:s13+s4] =	stream.linear.scatter [tilespmem:s20], [sflag:$0x7], $0x4000, $0x38;
	[tilespmem:$0x18500] =	vst v63  }
0xc1: {  	_ =	swait.ge [sflag:s3], $0x4000  }
0xc2: {  	[sflag:s3] =	ssyncset.done $0x0  }
0xc3: {  	s13 =	rddreg [dreg:$0x16];
	[sflag:s3] =	ssyncadd.s32 $0xFFFFC000  }
0xc4: {  	[tilespmem:s23], [sflag:$0x5] =	stream.indirect.gather [hbm4b:s13+s17], $0x80, s18, s17, $0xb8;
	[tilespmem:$0x18500] =	vst v63  }
0xc5: {  	_ =	swait.ge [sflag:s24], $0x4000  }
0xc6: {  	[sflag:s24] =	ssyncset.done $0x0  }
0xc7: {  	s13 =	rddreg [dreg:$0x17];
	[sflag:s24] =	ssyncadd.s32 $0xFFFFC000  }
0xc8: {  	[hbm4b:s13+s4] =	stream.linear.scatter [tilespmem:s21], [sflag:$0x8], $0x4000, $0x38;
	[tilespmem:$0x18500] =	vst v63  }
0xc9: {  	_ =	swait.ge [sflag:s25], $0x4000  }
0xca: {  	[sflag:s25] =	ssyncset.done $0x0  }
0xcb: {  	s13 =	rddreg [dreg:$0x18];
	[sflag:s25] =	ssyncadd.s32 $0xFFFFC000  }
0xcc: {  	[tilespmem:s19], [sflag:$0x1] =	stream.indirect.gather [hbm4b:s13+s17], $0x80, s18, s17, $0xb8;
	[tilespmem:$0x18500] =	vst v63  }
0xcd: {  	_ =	swait.ge [sflag:s26], $0x4000  }
0xce: {  	[sflag:s26] =	ssyncset.done $0x0  }
0xcf: {  	s13 =	rddreg [dreg:$0x19];
	[sflag:s26] =	ssyncadd.s32 $0xFFFFC000  }
0xd0: {  	[hbm4b:s13+s4] =	stream.linear.scatter [tilespmem:s22], [sflag:$0x9], $0x4000, $0x38;
	[tilespmem:$0x18500] =	vst v63  }
0xd1: {  	_ =	swait.ge [sflag:s28], $0x4000  }
0xd2: {  	[sflag:s28] =	ssyncset.done $0x0  }
0xd3: {  	s13 =	rddreg [dreg:$0x1a];
	[sflag:s28] =	ssyncadd.s32 $0xFFFFC000  }
0xd4: {  	[tilespmem:s20], [sflag:$0x2] =	stream.indirect.gather [hbm4b:s13+s17], $0x80, s18, s17, $0xb8;
	[tilespmem:$0x18500] =	vst v63  }
0xd5: {  	_ =	swait.ge [sflag:s29], $0x4000  }
0xd6: {  	[sflag:s29] =	ssyncset.done $0x0  }
0xd7: {  	s13 =	rddreg [dreg:$0x1b];
	[sflag:s29] =	ssyncadd.s32 $0xFFFFC000  }
0xd8: {  	[hbm4b:s13+s4] =	stream.linear.scatter [tilespmem:s23], [sflag:$0xA], $0x4000, $0x38;
	[tilespmem:$0x18500] =	vst v63  }
0xd9: {  	_ =	swait.ge [sflag:s30], $0x4000  }
0xda: {  	[sflag:s30] =	ssyncset.done $0x0  }
0xdb: {  	s13 =	rddreg [dreg:$0x1c];
	[sflag:s30] =	ssyncadd.s32 $0xFFFFC000  }
0xdc: {  	[tilespmem:s21], [sflag:$0x3] =	stream.indirect.gather [hbm4b:s13+s17], $0x80, s18, s17, $0xb8;
	[tilespmem:$0x18500] =	vst v63  }
0xdd: {  	_ =	swait.ge [sflag:s14], $0x4000  }
0xde: {  	[sflag:s14] =	ssyncset.done $0x0  }
0xdf: {  	s13 =	rddreg [dreg:$0x1d];
	[sflag:s14] =	ssyncadd.s32 $0xFFFFC000  }
0xe0: {  	[hbm4b:s13+s4] =	stream.linear.scatter [tilespmem:s19], [sflag:$0x6], $0x4000, $0x38;
	[tilespmem:$0x18500] =	vst v63  }
0xe1: {  	_ =	swait.ge [sflag:s31], $0x4000  }
0xe2: {  	[sflag:s31] =	ssyncset.done $0x0  }
0xe3: {  	s13 =	rddreg [dreg:$0x1e];
	[sflag:s31] =	ssyncadd.s32 $0xFFFFC000  }
0xe4: {  	[tilespmem:s22], [sflag:$0x4] =	stream.indirect.gather [hbm4b:s13+s17], $0x80, s18, s17, $0xb8;
	[tilespmem:$0x18500] =	vst v63  }
0xe5: {  	_ =	swait.ge [sflag:s15], $0x4000  }
0xe6: {  	[sflag:s15] =	ssyncset.done $0x0  }
0xe7: {  	s13 =	rddreg [dreg:$0x1f];
	[sflag:s15] =	ssyncadd.s32 $0xFFFFC000  }
0xe8: {  	[hbm4b:s13+s4] =	stream.linear.scatter [tilespmem:s20], [sflag:$0x7], $0x4000, $0x38;
	[tilespmem:$0x18500] =	vst v63  }
0xe9: {  	_ =	swait.ge [sflag:s3], $0x4000  }
0xea: {  	s13 =	sld [smem:$0x7DF]  }
0xeb: {  	[sflag:s3] =	ssyncset.done $0x0  }
0xec: {  	[sflag:s3] =	ssyncadd.s32 $0xFFFFC000  }
0xed: {  	[tilespmem:s23], [sflag:$0x5] =	stream.indirect.gather [hbm4b:s13+s17], $0x80, s18, s17, $0xb8;
	[tilespmem:$0x18500] =	vst v63  }
0xee: {  	_ =	swait.ge [sflag:s24], $0x4000  }
0xef: {  	s13 =	sld [smem:$0x7E0]  }
0xf0: {  	[sflag:s24] =	ssyncset.done $0x0  }
0xf1: {  	[sflag:s24] =	ssyncadd.s32 $0xFFFFC000  }
0xf2: {  	[hbm4b:s13+s4] =	stream.linear.scatter [tilespmem:s21], [sflag:$0x8], $0x4000, $0x38;
	[tilespmem:$0x18500] =	vst v63  }
0xf3: {  	_ =	swait.ge [sflag:s25], $0x4000  }
0xf4: {  	s13 =	sld [smem:$0x7E1]  }
0xf5: {  	[sflag:s25] =	ssyncset.done $0x0  }
0xf6: {  	[sflag:s25] =	ssyncadd.s32 $0xFFFFC000  }
0xf7: {  	[tilespmem:s19], [sflag:$0x1] =	stream.indirect.gather [hbm4b:s13+s17], $0x80, s18, s17, $0xb8;
	[tilespmem:$0x18500] =	vst v63  }
0xf8: {  	_ =	swait.ge [sflag:s26], $0x4000  }
0xf9: {  	s13 =	sld [smem:$0x7E2]  }
0xfa: {  	[sflag:s26] =	ssyncset.done $0x0  }
0xfb: {  	[sflag:s26] =	ssyncadd.s32 $0xFFFFC000  }
0xfc: {  	[hbm4b:s13+s4] =	stream.linear.scatter [tilespmem:s22], [sflag:$0x9], $0x4000, $0x38;
	[tilespmem:$0x18500] =	vst v63  }
0xfd: {  	_ =	swait.ge [sflag:s28], $0x4000  }
0xfe: {  	[sflag:s28] =	ssyncset.done $0x0  }
0xff: {  	[sflag:s28] =	ssyncadd.s32 $0xFFFFC000  }
0x100: {  	[tilespmem:s20], [sflag:$0x2] =	stream.indirect.gather [hbm4b:s1+s17], $0x80, s18, s17, $0xb8;
	[tilespmem:$0x18500] =	vst v63  }
0x101: {  	_ =	swait.ge [sflag:s29], $0x4000  }
0x102: {  	s13 =	sld [smem:$0x7E3]  }
0x103: {  	[sflag:s29] =	ssyncset.done $0x0  }
0x104: {  	[sflag:s29] =	ssyncadd.s32 $0xFFFFC000  }
0x105: {  	[hbm4b:s13+s4] =	stream.linear.scatter [tilespmem:s23], [sflag:$0xA], $0x4000, $0x38;
	[tilespmem:$0x18500] =	vst v63  }
0x106: {  	_ =	swait.ge [sflag:s30], $0x4000  }
0x107: {  	s13 =	sld [smem:$0x7E4]  }
0x108: {  	[sflag:s30] =	ssyncset.done $0x0  }
0x109: {  	[sflag:s30] =	ssyncadd.s32 $0xFFFFC000  }
0x10a: {  	[tilespmem:s21], [sflag:$0x3] =	stream.indirect.gather [hbm4b:s13+s17], $0x80, s18, s17, $0xb8;
	[tilespmem:$0x18500] =	vst v63  }
0x10b: {  	_ =	swait.ge [sflag:s14], $0x4000  }
0x10c: {  	s13 =	sld [smem:$0x7E5]  }
0x10d: {  	[sflag:s14] =	ssyncset.done $0x0  }
0x10e: {  	[sflag:s14] =	ssyncadd.s32 $0xFFFFC000  }
0x10f: {  	[hbm4b:s13+s4] =	stream.linear.scatter [tilespmem:s19], [sflag:$0x6], $0x4000, $0x38;
	[tilespmem:$0x18500] =	vst v63  }
0x110: {  	_ =	swait.ge [sflag:s31], $0x4000  }
0x111: {  	s13 =	sld [smem:$0x7E6]  }
0x112: {  	[sflag:s31] =	ssyncset.done $0x0  }
0x113: {  	[sflag:s31] =	ssyncadd.s32 $0xFFFFC000  }
0x114: {  	[tilespmem:s22], [sflag:$0x4] =	stream.indirect.gather [hbm4b:s13+s17], $0x80, s18, s17, $0xb8;
	[tilespmem:$0x18500] =	vst v63  }
0x115: {  	_ =	swait.ge [sflag:s15], $0x4000  }
0x116: {  	s13 =	sld [smem:$0x7E7]  }
0x117: {  	[sflag:s15] =	ssyncset.done $0x0  }
0x118: {  	[sflag:s15] =	ssyncadd.s32 $0xFFFFC000  }
0x119: {  	[hbm4b:s13+s4] =	stream.linear.scatter [tilespmem:s20], [sflag:$0x7], $0x4000, $0x38;
	[tilespmem:$0x18500] =	vst v63  }
0x11a: {  	_ =	swait.ge [sflag:s3], $0x4000  }
0x11b: {  	s13 =	sld [smem:$0x7E8]  }
0x11c: {  	[sflag:s3] =	ssyncset.done $0x0  }
0x11d: {  	[sflag:s3] =	ssyncadd.s32 $0xFFFFC000  }
0x11e: {  	[tilespmem:s23], [sflag:$0x5] =	stream.indirect.gather [hbm4b:s13+s17], $0x80, s18, s17, $0xb8;
	[tilespmem:$0x18500] =	vst v63  }
0x11f: {  	_ =	swait.ge [sflag:s24], $0x4000  }
0x120: {  	s13 =	sld [smem:$0x7E9]  }
0x121: {  	[sflag:s24] =	ssyncset.done $0x0  }
0x122: {  	[sflag:s24] =	ssyncadd.s32 $0xFFFFC000  }
0x123: {  	[hbm4b:s13+s4] =	stream.linear.scatter [tilespmem:s21], [sflag:$0x8], $0x4000, $0x38;
	[tilespmem:$0x18500] =	vst v63  }
0x124: {  	_ =	swait.ge [sflag:s25], $0x4000  }
0x125: {  	s13 =	sld [smem:$0x7EA]  }
0x126: {  	[sflag:s25] =	ssyncset.done $0x0  }
0x127: {  	[sflag:s25] =	ssyncadd.s32 $0xFFFFC000  }
0x128: {  	[tilespmem:s19], [sflag:$0x1] =	stream.indirect.gather [hbm4b:s13+s17], $0x80, s18, s17, $0xb8;
	[tilespmem:$0x18500] =	vst v63  }
0x129: {  	_ =	swait.ge [sflag:s26], $0x4000  }
0x12a: {  	s13 =	sld [smem:$0x7EB]  }
0x12b: {  	[sflag:s26] =	ssyncset.done $0x0  }
0x12c: {  	[sflag:s26] =	ssyncadd.s32 $0xFFFFC000  }
0x12d: {  	[hbm4b:s13+s4] =	stream.linear.scatter [tilespmem:s22], [sflag:$0x9], $0x4000, $0x38;
	[tilespmem:$0x18500] =	vst v63  }
0x12e: {  	_ =	swait.ge [sflag:s28], $0x4000  }
0x12f: {  	s13 =	sld [smem:$0x7EC]  }
0x130: {  	[sflag:s28] =	ssyncset.done $0x0  }
0x131: {  	[sflag:s28] =	ssyncadd.s32 $0xFFFFC000  }
0x132: {  	[tilespmem:s20], [sflag:$0x2] =	stream.indirect.gather [hbm4b:s13+s17], $0x80, s18, s17, $0xb8;
	[tilespmem:$0x18500] =	vst v63  }
0x133: {  	_ =	swait.ge [sflag:s29], $0x4000  }
0x134: {  	s13 =	sld [smem:$0x7ED]  }
0x135: {  	[sflag:s29] =	ssyncset.done $0x0  }
0x136: {  	[sflag:s29] =	ssyncadd.s32 $0xFFFFC000  }
0x137: {  	[hbm4b:s13+s4] =	stream.linear.scatter [tilespmem:s23], [sflag:$0xA], $0x4000, $0x38;
	[tilespmem:$0x18500] =	vst v63  }
0x138: {  	_ =	swait.ge [sflag:s30], $0x4000  }
0x139: {  	s13 =	sld [smem:$0x7EE]  }
0x13a: {  	[sflag:s30] =	ssyncset.done $0x0  }
0x13b: {  	[sflag:s30] =	ssyncadd.s32 $0xFFFFC000  }
0x13c: {  	[tilespmem:s21], [sflag:$0x3] =	stream.indirect.gather [hbm4b:s13+s17], $0x80, s18, s17, $0xb8;
	[tilespmem:$0x18500] =	vst v63  }
0x13d: {  	_ =	swait.ge [sflag:s14], $0x4000  }
0x13e: {  	s13 =	sld [smem:$0x7EF]  }
0x13f: {  	[sflag:s14] =	ssyncset.done $0x0  }
0x140: {  	[sflag:s14] =	ssyncadd.s32 $0xFFFFC000  }
0x141: {  	[hbm4b:s13+s4] =	stream.linear.scatter [tilespmem:s19], [sflag:$0x6], $0x4000, $0x38;
	[tilespmem:$0x18500] =	vst v63  }
0x142: {  	_ =	swait.ge [sflag:s31], $0x4000  }
0x143: {  	s13 =	sld [smem:$0x7F0]  }
0x144: {  	[sflag:s31] =	ssyncset.done $0x0  }
0x145: {  	[sflag:s31] =	ssyncadd.s32 $0xFFFFC000  }
0x146: {  	[tilespmem:s22], [sflag:$0x4] =	stream.indirect.gather [hbm4b:s13+s17], $0x80, s18, s17, $0xb8;
	[tilespmem:$0x18500] =	vst v63  }
0x147: {  	_ =	swait.ge [sflag:s15], $0x4000  }
0x148: {  	s13 =	sld [smem:$0x7F1]  }
0x149: {  	[sflag:s15] =	ssyncset.done $0x0  }
0x14a: {  	[sflag:s15] =	ssyncadd.s32 $0xFFFFC000  }
0x14b: {  	[hbm4b:s13+s4] =	stream.linear.scatter [tilespmem:s20], [sflag:$0x7], $0x4000, $0x38;
	[tilespmem:$0x18500] =	vst v63  }
0x14c: {  	_ =	swait.ge [sflag:s3], $0x4000  }
0x14d: {  	s13 =	sld [smem:$0x7F2]  }
0x14e: {  	[sflag:s3] =	ssyncset.done $0x0  }
0x14f: {  	[sflag:s3] =	ssyncadd.s32 $0xFFFFC000  }
0x150: {  	[tilespmem:s23], [sflag:$0x5] =	stream.indirect.gather [hbm4b:s13+s17], $0x80, s18, s17, $0xb8;
	[tilespmem:$0x18500] =	vst v63  }
0x151: {  	_ =	swait.ge [sflag:s24], $0x4000  }
0x152: {  	s13 =	sld [smem:$0x7F3]  }
0x153: {  	[sflag:s24] =	ssyncset.done $0x0  }
0x154: {  	[sflag:s24] =	ssyncadd.s32 $0xFFFFC000  }
0x155: {  	[hbm4b:s13+s4] =	stream.linear.scatter [tilespmem:s21], [sflag:$0x8], $0x4000, $0x38;
	[tilespmem:$0x18500] =	vst v63  }
0x156: {  	_ =	swait.ge [sflag:s25], $0x4000  }
0x157: {  	s13 =	sld [smem:$0x7F4]  }
0x158: {  	[sflag:s25] =	ssyncset.done $0x0  }
0x159: {  	[sflag:s25] =	ssyncadd.s32 $0xFFFFC000  }
0x15a: {  	[tilespmem:s19], [sflag:$0x1] =	stream.indirect.gather [hbm4b:s13+s17], $0x80, s18, s17, $0xb8;
	[tilespmem:$0x18500] =	vst v63  }
0x15b: {  	_ =	swait.ge [sflag:s26], $0x4000  }
0x15c: {  	s13 =	sld [smem:$0x7F5]  }
0x15d: {  	[sflag:s26] =	ssyncset.done $0x0  }
0x15e: {  	[sflag:s26] =	ssyncadd.s32 $0xFFFFC000  }
0x15f: {  	[hbm4b:s13+s4] =	stream.linear.scatter [tilespmem:s22], [sflag:$0x9], $0x4000, $0x38;
	[tilespmem:$0x18500] =	vst v63  }
0x160: {  	_ =	swait.ge [sflag:s28], $0x4000  }
0x161: {  	s13 =	sld [smem:$0x7F6]  }
0x162: {  	[sflag:s28] =	ssyncset.done $0x0  }
0x163: {  	[sflag:s28] =	ssyncadd.s32 $0xFFFFC000  }
0x164: {  	[tilespmem:s20], [sflag:$0x2] =	stream.indirect.gather [hbm4b:s13+s17], $0x80, s18, s17, $0xb8;
	[tilespmem:$0x18500] =	vst v63  }
0x165: {  	_ =	swait.ge [sflag:s29], $0x4000  }
0x166: {  	s13 =	sld [smem:$0x7F7]  }
0x167: {  	[sflag:s29] =	ssyncset.done $0x0  }
0x168: {  	[sflag:s29] =	ssyncadd.s32 $0xFFFFC000  }
0x169: {  	[hbm4b:s13+s4] =	stream.linear.scatter [tilespmem:s23], [sflag:$0xA], $0x4000, $0x38;
	[tilespmem:$0x18500] =	vst v63  }
0x16a: {  	_ =	swait.ge [sflag:s30], $0x4000  }
0x16b: {  	s13 =	sld [smem:$0x7F8]  }
0x16c: {  	[sflag:s30] =	ssyncset.done $0x0  }
0x16d: {  	[sflag:s30] =	ssyncadd.s32 $0xFFFFC000  }
0x16e: {  	[tilespmem:s21], [sflag:$0x3] =	stream.indirect.gather [hbm4b:s13+s17], $0x80, s18, s17, $0xb8;
	[tilespmem:$0x18500] =	vst v63  }
0x16f: {  	_ =	swait.ge [sflag:s14], $0x4000  }
0x170: {  	s13 =	sld [smem:$0x7F9]  }
0x171: {  	[sflag:s14] =	ssyncset.done $0x0  }
0x172: {  	[sflag:s14] =	ssyncadd.s32 $0xFFFFC000  }
0x173: {  	[hbm4b:s13+s4] =	stream.linear.scatter [tilespmem:s19], [sflag:$0x6], $0x4000, $0x38;
	[tilespmem:$0x18500] =	vst v63  }
0x174: {  	_ =	swait.ge [sflag:s31], $0x4000  }
0x175: {  	s13 =	sld [smem:$0x7FA]  }
0x176: {  	[sflag:s31] =	ssyncset.done $0x0  }
0x177: {  	[sflag:s31] =	ssyncadd.s32 $0xFFFFC000  }
0x178: {  	[tilespmem:s22], [sflag:$0x4] =	stream.indirect.gather [hbm4b:s13+s17], $0x80, s18, s17, $0xb8;
	[tilespmem:$0x18500] =	vst v63  }
0x179: {  	_ =	swait.ge [sflag:s15], $0x4000  }
0x17a: {  	s13 =	sld [smem:$0x7FB]  }
0x17b: {  	[sflag:s15] =	ssyncset.done $0x0  }
0x17c: {  	[sflag:s15] =	ssyncadd.s32 $0xFFFFC000  }
0x17d: {  	[hbm4b:s13+s4] =	stream.linear.scatter [tilespmem:s20], [sflag:$0x7], $0x4000, $0x38;
	[tilespmem:$0x18500] =	vst v63  }
0x17e: {  	_ =	swait.ge [sflag:s3], $0x4000  }
0x17f: {  	s13 =	sld [smem:$0x7FC]  }
0x180: {  	[sflag:s3] =	ssyncset.done $0x0  }
0x181: {  	[sflag:s3] =	ssyncadd.s32 $0xFFFFC000  }
0x182: {  	[tilespmem:s23], [sflag:$0x5] =	stream.indirect.gather [hbm4b:s13+s17], $0x80, s18, s17, $0xb8;
	[tilespmem:$0x18500] =	vst v63  }
0x183: {  	_ =	swait.ge [sflag:s24], $0x4000  }
0x184: {  	s13 =	sld [smem:$0x7FD]  }
0x185: {  	[sflag:s24] =	ssyncset.done $0x0  }
0x186: {  	[sflag:s24] =	ssyncadd.s32 $0xFFFFC000  }
0x187: {  	[hbm4b:s13+s4] =	stream.linear.scatter [tilespmem:s21], [sflag:$0x8], $0x4000, $0x38;
	[tilespmem:$0x18500] =	vst v63  }
0x188: {  	_ =	swait.ge [sflag:s25], $0x4000  }
0x189: {  	[sflag:s25] =	ssyncset.done $0x0  }
0x18a: {  	[sflag:s25] =	ssyncadd.s32 $0xFFFFC000  }
0x18b: {  	[tilespmem:s19], [sflag:$0x1] =	stream.indirect.gather [hbm4b:s6+s17], $0x80, s18, s17, $0xb8;
	[tilespmem:$0x18500] =	vst v63  }
0x18c: {  	_ =	swait.ge [sflag:s26], $0x4000  }
0x18d: {  	[sflag:s26] =	ssyncset.done $0x0  }
0x18e: {  	[sflag:s26] =	ssyncadd.s32 $0xFFFFC000  }
0x18f: {  	[hbm4b:s7+s4] =	stream.linear.scatter [tilespmem:s22], [sflag:$0x9], $0x4000, $0x38;
	[tilespmem:$0x18500] =	vst v63  }
0x190: {  	_ =	swait.ge [sflag:s28], $0x4000  }
0x191: {  	[sflag:s28] =	ssyncset.done $0x0  }
0x192: {  	[sflag:s28] =	ssyncadd.s32 $0xFFFFC000  }
0x193: {  	[tilespmem:s20], [sflag:$0x2] =	stream.indirect.gather [hbm4b:s8+s17], $0x80, s18, s17, $0xb8;
	[tilespmem:$0x18500] =	vst v63  }
0x194: {  	_ =	swait.ge [sflag:s29], $0x4000  }
0x195: {  	[sflag:s29] =	ssyncset.done $0x0  }
0x196: {  	[sflag:s29] =	ssyncadd.s32 $0xFFFFC000  }
0x197: {  	[hbm4b:s9+s4] =	stream.linear.scatter [tilespmem:s23], [sflag:$0xA], $0x4000, $0x38;
	[tilespmem:$0x18500] =	vst v63  }
0x198: {  	_ =	swait.ge [sflag:s14], $0x4000  }
0x199: {  	[sflag:s14] =	ssyncset.done $0x0  }
0x19a: {  	[sflag:s14] =	ssyncadd.s32 $0xFFFFC000  }
0x19b: {  	[hbm4b:s10+s4] =	stream.linear.scatter [tilespmem:s19], [sflag:$0x6], $0x4000, $0x38;
	[tilespmem:$0x18500] =	vst v63  }
0x19c: {  	_ =	swait.ge [sflag:s15], $0x4000  }
0x19d: {  	[sflag:s15] =	ssyncset.done $0x0  }
0x19e: {  	[sflag:s15] =	ssyncadd.s32 $0xFFFFC000  }
0x19f: {  	[hbm4b:s11+s4] =	stream.linear.scatter [tilespmem:s20], [sflag:$0x7], $0x4000, $0x38;
	[tilespmem:$0x18500] =	vst v63  }
0x1a0: {  	_ =	swait.ge [sflag:s30], $0x4000  }
0x1a1: {  	[sflag:s30] =	ssyncset.done $0x0  }
0x1a2: {  	[sflag:s30] =	ssyncadd.s32 $0xFFFFC000  }
0x1a3: {  	_ =	swait.ge [sflag:s31], $0x4000  }
0x1a4: {  	[sflag:s31] =	ssyncset.done $0x0  }
0x1a5: {  	[sflag:s31] =	ssyncadd.s32 $0xFFFFC000  }
0x1a6: {  	_ =	swait.ge [sflag:s3], $0x4000  }
0x1a7: {  	[sflag:s3] =	ssyncset.done $0x0  }
0x1a8: {  	[sflag:s3] =	ssyncadd.s32 $0xFFFFC000  }
0x1a9: {  	p0 =	sne.s32 s12, $0x1;
	_ =	swait.ge [sflag:s25], $0x4000  }
.Ltmp0:
0x1aa: {  	[sflag:s25] =	ssyncset.done $0x0;
	(pc) =	sbr.rel @p0 .LBB2_1-.Ltmp0, $4  }
0x1ab: {  	[sflag:s25] =	ssyncadd.s32 $0xFFFFC000  }
0x1ac: {  	_ =	swait.ge [sflag:s28], $0x4000  }
0x1ad: {  	[sflag:s28] =	ssyncset.done $0x0  }
0x1ae: {  	s12 =	sadd.s32 $0xFFFFFFFF, s12;
	[sflag:s28] =	ssyncadd.s32 $0xFFFFC000  }
0x1af: {  	_ =	sfence.sel $0x180000  }
0x1b0: {  	[bflag:$0x0] =	sbarrier.arrive $0xFFFF  }
0x1b1: {  	_ =	strace $0x90000047  }
0x1b2: {  	s0 =	stileid.u32;
	[bflag:$0x2] =	sbarrier.arrive $0xFFFF  }
0x1b3: {  	p0 =	sne.s32 s0, $0x0;
	s0 =	rddreg [dreg:$0x5]  }
0x1b4: {  	s0 =	sadd.s32 @!p0 $0x100000, s0  }
0x1b5: {  	[sflag:s0] =	ssyncadd.tile.s32 @!p0 $0x1;
	_ =	shalt  }
.Lfunc_end2:
_tile_overlayer_lowered:
.L_overlay_start_2:
0x1b6: {  	(tag) =	ssettag $0x2  }
0x1b7: {  	s0 =	rddreg [dreg:$0x0];
	s2 =	stileid.u32  }
0x1b8: {  	s1 =	rddreg [dreg:$0x1];
	p0 =	sne.s32 s2, $0x0  }
0x1b9: {  	s3 =	rddreg [dreg:$0x2];
	[bflag:$0x3] =	sbarrier.arrive $0xFFFF;
	s2 =	simm.s32 @!p0 $0x1C0B  }
0x1ba: {  	[timem:s3], [sflag:s2] =	dma.local @!p0 [hbm:s0], s1  }
0x1bb: {  	s0 =	simm.s32 @!p0 $0xB  }
0x1bc: {  	_ =	swait.ge @!p0 [sflag:s0], s1  }
0x1bd: {  	s1 =	ssub.s32 @!p0 $0x0, s1;
	[sflag:s0] =	ssyncset.done @!p0 $0x0  }
0x1be: {  	[sflag:s0] =	ssyncadd.s32 @!p0 s1  }
0x1bf: {  	[bflag:$0x3] =	sbarrier.arrive $0xFFFF  }
0x1c0: {  	_ =	shalt  }

</sc_bundles>
